<compile_context>
chip_gen: v7x
topology: tpu7x:2x2x1
jax: 0.10.2.dev20260603
libtpu: 0.0.44.dev20260713+nightly
codegen_flags: <defaults>
</compile_context>

<pallas_src>
import functools

import jax
import jax.numpy as jnp
from jax import lax
from jax.experimental import pallas as pl
from jax.experimental.pallas import tpu as pltpu
from jax.experimental.pallas import tpu_sc as plsc

N = 10000
E = 320000
D = 128

NC = 2
NS = 16
NW = NC * NS
CH = 128
NCHUNK = 80
EPAD = NW * NCHUNK * CH
NPAD = 10112
RPT = NPAD // NS


def _agg_body(h_hbm, src_hbm, dst_hbm, out_hbm, sidx, dring0, dring1,
              rows0, rows1, accum, sem0, sem1, semd0, semd1, semi):
    c = lax.axis_index("c")
    s = lax.axis_index("s")
    w = c * NS + s

    pltpu.async_copy(src_hbm.at[w], sidx, semi)

    zeros16 = jnp.zeros((16,), jnp.float32)

    def zfill(i, carry):
        r = i // (D // 16)
        col = (i % (D // 16)) * 16
        rows0[r, pl.ds(col, 16)] = zeros16
        return carry

    lax.fori_loop(0, CH * (D // 16), zfill, 0)
    for k in range(RPT // CH):
        pltpu.sync_copy(rows0, accum.at[pl.ds(s * RPT + k * CH, CH)])
    rem = RPT - (RPT // CH) * CH
    if rem:
        pltpu.sync_copy(rows0.at[pl.ds(0, rem)],
                        accum.at[pl.ds(s * RPT + (RPT // CH) * CH, rem)])

    pltpu.async_copy(dst_hbm.at[w, pl.ds(0, 1)], dring0, semd0)
    pltpu.async_copy(dst_hbm.at[w, pl.ds(1, 1)], dring1, semd1)
    pltpu.make_async_copy(src_hbm.at[w], sidx, semi).wait()
    pltpu.async_copy(h_hbm.at[sidx.at[0]], rows0, sem0)
    pltpu.async_copy(h_hbm.at[sidx.at[1]], rows1, sem1)
    plsc.subcore_barrier()

    def body(i, carry):
        j = 2 * i
        pltpu.make_async_copy(h_hbm.at[sidx.at[j]], rows0, sem0).wait()
        pltpu.make_async_copy(dst_hbm.at[w, pl.ds(j, 1)], dring0,
                              semd0).wait()
        pltpu.sync_copy(rows0, accum.at[dring0.at[0]], add=True)
        pltpu.async_copy(dst_hbm.at[w, pl.ds(j + 2, 1)], dring0, semd0)
        pltpu.async_copy(h_hbm.at[sidx.at[j + 2]], rows0, sem0)
        pltpu.make_async_copy(h_hbm.at[sidx.at[j + 1]], rows1, sem1).wait()
        pltpu.make_async_copy(dst_hbm.at[w, pl.ds(j + 1, 1)], dring1,
                              semd1).wait()
        pltpu.sync_copy(rows1, accum.at[dring1.at[0]], add=True)
        pltpu.async_copy(dst_hbm.at[w, pl.ds(j + 3, 1)], dring1, semd1)
        pltpu.async_copy(h_hbm.at[sidx.at[j + 3]], rows1, sem1)
        return carry

    lax.fori_loop(0, NCHUNK // 2 - 1, body, 0)
    j = NCHUNK - 2
    pltpu.make_async_copy(h_hbm.at[sidx.at[j]], rows0, sem0).wait()
    pltpu.make_async_copy(dst_hbm.at[w, pl.ds(j, 1)], dring0, semd0).wait()
    pltpu.sync_copy(rows0, accum.at[dring0.at[0]], add=True)
    pltpu.make_async_copy(h_hbm.at[sidx.at[j + 1]], rows1, sem1).wait()
    pltpu.make_async_copy(dst_hbm.at[w, pl.ds(j + 1, 1)], dring1,
                          semd1).wait()
    pltpu.sync_copy(rows1, accum.at[dring1.at[0]], add=True)
    plsc.subcore_barrier()

    pltpu.sync_copy(accum.at[pl.ds(s * RPT, RPT)],
                    out_hbm.at[c, pl.ds(s * RPT, RPT)])


_agg_call = pl.kernel(
    _agg_body,
    out_type=jax.ShapeDtypeStruct((NC, NPAD, D), jnp.float32),
    mesh=plsc.VectorSubcoreMesh(core_axis_name="c", subcore_axis_name="s"),
    scratch_types=[
        pltpu.VMEM((NCHUNK, CH), jnp.int32),
        pltpu.VMEM((1, CH), jnp.int32),
        pltpu.VMEM((1, CH), jnp.int32),
        pltpu.VMEM((CH, D), jnp.float32),
        pltpu.VMEM((CH, D), jnp.float32),
        pltpu.VMEM_SHARED((NPAD, D), jnp.float32),
        pltpu.SemaphoreType.DMA,
        pltpu.SemaphoreType.DMA,
        pltpu.SemaphoreType.DMA,
        pltpu.SemaphoreType.DMA,
        pltpu.SemaphoreType.DMA,
    ],
)


BLK = 1000


def _mlp_body(x_ref, a0_ref, a1_ref, wa_ref, ba_ref, wb_ref, bb_ref, o_ref,
              *, final_relu):
    z = x_ref[...] + a0_ref[...] + a1_ref[...]
    z = jnp.dot(z, wa_ref[...], preferred_element_type=jnp.float32)
    z = jnp.maximum(z + ba_ref[...], 0.0)
    z = jnp.dot(z, wb_ref[...], preferred_element_type=jnp.float32)
    z = z + bb_ref[...]
    if final_relu:
        z = jnp.maximum(z, 0.0)
    o_ref[...] = z


def _mlp(x, a0, a1, Wa, ba, Wb, bb, final_relu):
    row_spec = pl.BlockSpec((BLK, D), lambda i: (i, 0))
    full_spec = pl.BlockSpec((D, D), lambda i: (0, 0))
    bias_spec = pl.BlockSpec((1, D), lambda i: (0, 0))
    return pl.pallas_call(
        functools.partial(_mlp_body, final_relu=final_relu),
        grid=(N // BLK,),
        in_specs=[row_spec, row_spec, row_spec, full_spec, bias_spec,
                  full_spec, bias_spec],
        out_specs=row_spec,
        out_shape=jax.ShapeDtypeStruct((N, D), jnp.float32),
    )(x, a0, a1, Wa, ba.reshape(1, D), Wb, bb.reshape(1, D))


def _pad_nodes(h):
    return jnp.pad(h, ((0, NPAD - N), (0, 0)))


def kernel(x, edge_index, W1a, b1a, W1b, b1b, W2a, b2a, W2b, b2b):
    npad = EPAD - E
    src = jnp.concatenate(
        [edge_index[0], jnp.full((npad,), N, jnp.int32)]).reshape(
            NW, NCHUNK, CH)
    dst = jnp.concatenate(
        [edge_index[1], jnp.zeros((npad,), jnp.int32)]).reshape(
            NW, NCHUNK, CH)

    agg1 = _agg_call(_pad_nodes(x), src, dst)
    h = _mlp(x, agg1[0, :N], agg1[1, :N], W1a, b1a, W1b, b1b,
             final_relu=True)
    agg2 = _agg_call(_pad_nodes(h), src, dst)
    out = _mlp(h, agg2[0, :N], agg2[1, :N], W2a, b2a, W2b, b2b,
               final_relu=False)
    return out

# --- scband reference (transcript-rebuilt; emitter-appended) ---
"""Pipeline reference for scband-gin-71725953843763 (READ-ONLY COPY).

The authoritative reference and input builder live on the scoring server;
editing this copy changes nothing except your own understanding.
"""

import jax, jax.numpy as jnp
import numpy as np

N = 10000
E = 320000
D = 128
EPS = 0.0


def setup_inputs(seed: int = 0) -> dict:
    key = jax.random.key(seed)
    ks = jax.random.split(key, 12)
    x = jax.random.normal(ks[0], (N, D), dtype=jnp.float32)
    edge_index = jax.random.randint(ks[1], (2, E), 0, N, dtype=jnp.int32)
    s = 1.0 / np.sqrt(D)
    W1a = jax.random.normal(ks[2], (D, D), dtype=jnp.float32) * s
    b1a = jnp.zeros((D,), dtype=jnp.float32)
    W1b = jax.random.normal(ks[3], (D, D), dtype=jnp.float32) * s
    b1b = jnp.zeros((D,), dtype=jnp.float32)
    W2a = jax.random.normal(ks[4], (D, D), dtype=jnp.float32) * s
    b2a = jnp.zeros((D,), dtype=jnp.float32)
    W2b = jax.random.normal(ks[5], (D, D), dtype=jnp.float32) * s
    b2b = jnp.zeros((D,), dtype=jnp.float32)
    return {"x": x, "edge_index": edge_index, "W1a": W1a, "b1a": b1a,
            "W1b": W1b, "b1b": b1b, "W2a": W2a, "b2a": b2a,
            "W2b": W2b, "b2b": b2b}


def _gin_conv(h, src, dst, Wa, ba, Wb, bb):
    # GINConv: mlp((1+eps)*x + sum_{j in N(i)} x_j)
    agg = jax.ops.segment_sum(h[src], dst, num_segments=N)
    z = (1.0 + EPS) * h + agg
    z = jnp.maximum(z @ Wa + ba, 0.0)
    z = z @ Wb + bb
    return z


def reference(x, edge_index, W1a, b1a, W1b, b1b, W2a, b2a, W2b, b2b):
    src = edge_index[0]
    dst = edge_index[1]
    h = _gin_conv(x, src, dst, W1a, b1a, W1b, b1b)
    h = jnp.maximum(h, 0.0)  # F.relu between conv1 and conv2
    out = _gin_conv(h, src, dst, W2a, b2a, W2b, b2b)
    return out

if __name__ == "__main__":
    import jax
    _d = setup_inputs()
    print(jax.jit(kernel)(*tuple(_d.values())))

</pallas_src>

<mosaic_0001>
#map = affine_map<(d0, d1) -> (0, 0)>
#map1 = affine_map<(d0, d1) -> (0, 0, 0)>
module attributes {stable_mosaic.version = 14 : i64} {
  func.func @_agg_body(%arg0: i32, %arg1: i32, %arg2: memref<10112x128xf32, #tpu.memory_space<hbm>>, %arg3: memref<32x80x128xi32, #tpu.memory_space<hbm>>, %arg4: memref<32x80x128xi32, #tpu.memory_space<hbm>>, %arg5: memref<2x10112x128xf32, #tpu.memory_space<hbm>>, %arg6: memref<80x128xi32, #tpu.memory_space<vmem>>, %arg7: memref<1x128xi32, #tpu.memory_space<vmem>>, %arg8: memref<1x128xi32, #tpu.memory_space<vmem>>, %arg9: memref<128x128xf32, #tpu.memory_space<vmem>>, %arg10: memref<128x128xf32, #tpu.memory_space<vmem>>, %arg11: memref<10112x128xf32, #tpu.memory_space<vmem_shared>>, %arg12: memref<!tpu.dma_semaphore, #tpu.memory_space<semaphore_mem>>, %arg13: memref<!tpu.dma_semaphore, #tpu.memory_space<semaphore_mem>>, %arg14: memref<!tpu.dma_semaphore, #tpu.memory_space<semaphore_mem>>, %arg15: memref<!tpu.dma_semaphore, #tpu.memory_space<semaphore_mem>>, %arg16: memref<!tpu.dma_semaphore, #tpu.memory_space<semaphore_mem>>) attributes {dimension_semantics = [#tpu.dimension_semantics<core_parallel>, #tpu.dimension_semantics<subcore_parallel>], iteration_bounds = array<i64: 2, 16>, scalar_prefetch = 0 : i64, scratch_operands = 11 : i64, tpu.core_type = #tpu.core_type<sc_vector_subcore>, window_params = [{transform_indices = #map}, {transform_indices = #map1}, {transform_indices = #map1}, {transform_indices = #map1}]} {
    %mul3A = arith.constant 16 : i32
    %mul3A_0 = arith.muli %arg0, %mul3A : i32
    %add3A = arith.addi %mul3A_0, %arg1 : i32
    %dma_start3A = arith.constant 0 : i32
    %dma_start3A_1 = arith.constant 0 : i32
    %dma_start3A_2 = tpu.memref_slice %arg3[%add3A, %dma_start3A, %dma_start3A_1] : memref<32x80x128xi32, #tpu.memory_space<hbm>> -> memref<1x80x128xi32, #tpu.memory_space<hbm>>
    %dma_start3A_3 = tpu.memref_squeeze %dma_start3A_2 : memref<1x80x128xi32, #tpu.memory_space<hbm>> -> memref<80x128xi32, #tpu.memory_space<hbm>>
    %dma_start3A_4 = arith.constant 0 : i32
    %dma_start3A_5 = arith.constant 0 : i32
    %dma_start3A_6 = tpu.memref_slice %arg3[%add3A, %dma_start3A_4, %dma_start3A_5] : memref<32x80x128xi32, #tpu.memory_space<hbm>> -> memref<1x80x128xi32, #tpu.memory_space<hbm>>
    %dma_start3A_7 = tpu.memref_squeeze %dma_start3A_6 : memref<1x80x128xi32, #tpu.memory_space<hbm>> -> memref<80x128xi32, #tpu.memory_space<hbm>>
    tpu.enqueue_dma source(%dma_start3A_7 : memref<80x128xi32, #tpu.memory_space<hbm>>) target(%arg6 : memref<80x128xi32, #tpu.memory_space<vmem>>) target_semaphore(%arg16 : memref<!tpu.dma_semaphore, #tpu.memory_space<semaphore_mem>>)
    %broadcast_in_dim3A = arith.constant 0.000000e+00 : f32
    %broadcast_in_dim3A_8 = vector.broadcast %broadcast_in_dim3A : f32 to vector<16xf32>
    %scan3A = arith.constant 0 : i32
    %scan3A_9 = arith.constant 0 : i32
    %scan3A_10 = arith.constant 1024 : i32
    %scan3A_11 = arith.addi %scan3A_9, %scan3A_10 : i32
    %scan3A_12 = arith.constant 1 : i32
    scf.for %scan3A_113 = %scan3A_9 to %scan3A_11 step %scan3A_12  : i32 {
      %jit3A = arith.constant 8 : i32
      %div3A = arith.divsi %scan3A_113, %jit3A : i32
      %sign3A = arith.constant 0 : i32
      %sign3A_114 = arith.cmpi sgt, %scan3A_113, %sign3A : i32
      %sign3A_115 = arith.extui %sign3A_114 : i1 to i32
      %sign3A_116 = arith.constant 0 : i32
      %sign3A_117 = arith.cmpi slt, %scan3A_113, %sign3A_116 : i32
      %sign3A_118 = arith.extui %sign3A_117 : i1 to i32
      %sign3A_119 = arith.subi %sign3A_115, %sign3A_118 : i32
      %sign3A_120 = arith.constant 0 : i32
      %sign3A_121 = arith.cmpi sgt, %jit3A, %sign3A_120 : i32
      %sign3A_122 = arith.extui %sign3A_121 : i1 to i32
      %sign3A_123 = arith.constant 0 : i32
      %sign3A_124 = arith.cmpi slt, %jit3A, %sign3A_123 : i32
      %sign3A_125 = arith.extui %sign3A_124 : i1 to i32
      %sign3A_126 = arith.subi %sign3A_122, %sign3A_125 : i32
      %ne3A = arith.cmpi ne, %sign3A_119, %sign3A_126 : i32
      %rem3A = arith.remsi %scan3A_113, %jit3A : i32
      %ne3A_127 = arith.constant 0 : i32
      %ne3A_128 = arith.cmpi ne, %rem3A, %ne3A_127 : i32
      %and3A = arith.andi %ne3A, %ne3A_128 : i1
      %sub3A = arith.constant 1 : i32
      %sub3A_129 = arith.subi %div3A, %sub3A : i32
      %select_n3A = arith.select %and3A, %sub3A_129, %div3A : i32
      %jit3A_130 = arith.constant 8 : i32
      %eq3A = arith.constant 0 : i32
      %eq3A_131 = arith.cmpi eq, %jit3A_130, %eq3A : i32
      %jit3A_132 = arith.constant 1 : i32
      %select_n3A_133 = arith.select %eq3A_131, %jit3A_132, %jit3A_130 : i32
      %rem3A_134 = arith.remsi %scan3A_113, %select_n3A_133 : i32
      %ne3A_135 = arith.constant 0 : i32
      %ne3A_136 = arith.cmpi ne, %rem3A_134, %ne3A_135 : i32
      %lt3A = arith.constant 0 : i32
      %lt3A_137 = arith.cmpi slt, %rem3A_134, %lt3A : i32
      %lt3A_138 = arith.constant 0 : i32
      %lt3A_139 = arith.cmpi slt, %select_n3A_133, %lt3A_138 : i32
      %ne3A_140 = arith.xori %lt3A_137, %lt3A_139 : i1
      %and3A_141 = arith.andi %ne3A_140, %ne3A_136 : i1
      %add3A_142 = arith.addi %rem3A_134, %select_n3A_133 : i32
      %select_n3A_143 = arith.select %and3A_141, %add3A_142, %rem3A_134 : i32
      %mul3A_144 = arith.constant 16 : i32
      %mul3A_145 = arith.muli %select_n3A_143, %mul3A_144 : i32
      %swap3A = arith.index_cast %select_n3A : i32 to index
      %swap3A_146 = arith.index_cast %mul3A_145 : i32 to index
      %swap3A_147 = tpu.vector_load %arg9[%swap3A, %swap3A_146] {strides = array<i32>} : memref<128x128xf32, #tpu.memory_space<vmem>>, vector<1x16xf32>,
      %swap3A_148 = vector.shape_cast %swap3A_147 : vector<1x16xf32> to vector<16xf32>
      %swap3A_149 = vector.shape_cast %broadcast_in_dim3A_8 : vector<16xf32> to vector<1x16xf32>
      tpu.vector_store %arg9[%swap3A, %swap3A_146], %swap3A_149 {strides = array<i32>} : memref<128x128xf32, #tpu.memory_space<vmem>>, vector<1x16xf32>,
    }
    %scan3A_13 = arith.constant 1024 : i32
    %mul3A_14 = arith.constant 632 : i32
    %mul3A_15 = arith.muli %arg1, %mul3A_14 : i32
    %add3A_16 = arith.constant 0 : i32
    %add3A_17 = arith.addi %mul3A_15, %add3A_16 : i32
    "tpu.region"() ({
      %run_scoped3A_113 = tpu.sem_alloc : memref<!tpu.dma_semaphore, #tpu.memory_space<semaphore_mem>>
      %dma_start3A_114 = arith.constant 0 : i32
      %dma_start3A_115 = tpu.memref_slice %arg11[%add3A_17, %dma_start3A_114] : memref<10112x128xf32, #tpu.memory_space<vmem_shared>> -> memref<128x128xf32, #tpu.memory_space<vmem_shared>>
      %dma_start3A_116 = arith.constant 0 : i32
      %dma_start3A_117 = tpu.memref_slice %arg11[%add3A_17, %dma_start3A_116] : memref<10112x128xf32, #tpu.memory_space<vmem_shared>> -> memref<128x128xf32, #tpu.memory_space<vmem_shared>>
      tpu.enqueue_dma source(%arg9 : memref<128x128xf32, #tpu.memory_space<vmem>>) target(%dma_start3A_117 : memref<128x128xf32, #tpu.memory_space<vmem_shared>>) target_semaphore(%run_scoped3A_113 : memref<!tpu.dma_semaphore, #tpu.memory_space<semaphore_mem>>)
      %dma_wait3A_118 = arith.constant 0 : i32
      %dma_wait3A_119 = tpu.memref_slice %arg11[%add3A_17, %dma_wait3A_118] : memref<10112x128xf32, #tpu.memory_space<vmem_shared>> -> memref<128x128xf32, #tpu.memory_space<vmem_shared>>
      %dma_wait3A_120 = arith.constant 0 : i32
      %dma_wait3A_121 = tpu.memref_slice %arg11[%add3A_17, %dma_wait3A_120] : memref<10112x128xf32, #tpu.memory_space<vmem_shared>> -> memref<128x128xf32, #tpu.memory_space<vmem_shared>>
      tpu.wait_dma2 semaphore(%run_scoped3A_113 : memref<!tpu.dma_semaphore, #tpu.memory_space<semaphore_mem>>) src(%arg9 : memref<128x128xf32, #tpu.memory_space<vmem>>) dst(%dma_wait3A_121 : memref<128x128xf32, #tpu.memory_space<vmem_shared>>)
      tpu.yield
    }) : () -> ()
    %mul3A_18 = arith.constant 632 : i32
    %mul3A_19 = arith.muli %arg1, %mul3A_18 : i32
    %add3A_20 = arith.constant 128 : i32
    %add3A_21 = arith.addi %mul3A_19, %add3A_20 : i32
    "tpu.region"() ({
      %run_scoped3A_113 = tpu.sem_alloc : memref<!tpu.dma_semaphore, #tpu.memory_space<semaphore_mem>>
      %dma_start3A_114 = arith.constant 0 : i32
      %dma_start3A_115 = tpu.memref_slice %arg11[%add3A_21, %dma_start3A_114] : memref<10112x128xf32, #tpu.memory_space<vmem_shared>> -> memref<128x128xf32, #tpu.memory_space<vmem_shared>>
      %dma_start3A_116 = arith.constant 0 : i32
      %dma_start3A_117 = tpu.memref_slice %arg11[%add3A_21, %dma_start3A_116] : memref<10112x128xf32, #tpu.memory_space<vmem_shared>> -> memref<128x128xf32, #tpu.memory_space<vmem_shared>>
      tpu.enqueue_dma source(%arg9 : memref<128x128xf32, #tpu.memory_space<vmem>>) target(%dma_start3A_117 : memref<128x128xf32, #tpu.memory_space<vmem_shared>>) target_semaphore(%run_scoped3A_113 : memref<!tpu.dma_semaphore, #tpu.memory_space<semaphore_mem>>)
      %dma_wait3A_118 = arith.constant 0 : i32
      %dma_wait3A_119 = tpu.memref_slice %arg11[%add3A_21, %dma_wait3A_118] : memref<10112x128xf32, #tpu.memory_space<vmem_shared>> -> memref<128x128xf32, #tpu.memory_space<vmem_shared>>
      %dma_wait3A_120 = arith.constant 0 : i32
      %dma_wait3A_121 = tpu.memref_slice %arg11[%add3A_21, %dma_wait3A_120] : memref<10112x128xf32, #tpu.memory_space<vmem_shared>> -> memref<128x128xf32, #tpu.memory_space<vmem_shared>>
      tpu.wait_dma2 semaphore(%run_scoped3A_113 : memref<!tpu.dma_semaphore, #tpu.memory_space<semaphore_mem>>) src(%arg9 : memref<128x128xf32, #tpu.memory_space<vmem>>) dst(%dma_wait3A_121 : memref<128x128xf32, #tpu.memory_space<vmem_shared>>)
      tpu.yield
    }) : () -> ()
    %mul3A_22 = arith.constant 632 : i32
    %mul3A_23 = arith.muli %arg1, %mul3A_22 : i32
    %add3A_24 = arith.constant 256 : i32
    %add3A_25 = arith.addi %mul3A_23, %add3A_24 : i32
    "tpu.region"() ({
      %run_scoped3A_113 = tpu.sem_alloc : memref<!tpu.dma_semaphore, #tpu.memory_space<semaphore_mem>>
      %dma_start3A_114 = arith.constant 0 : i32
      %dma_start3A_115 = tpu.memref_slice %arg11[%add3A_25, %dma_start3A_114] : memref<10112x128xf32, #tpu.memory_space<vmem_shared>> -> memref<128x128xf32, #tpu.memory_space<vmem_shared>>
      %dma_start3A_116 = arith.constant 0 : i32
      %dma_start3A_117 = tpu.memref_slice %arg11[%add3A_25, %dma_start3A_116] : memref<10112x128xf32, #tpu.memory_space<vmem_shared>> -> memref<128x128xf32, #tpu.memory_space<vmem_shared>>
      tpu.enqueue_dma source(%arg9 : memref<128x128xf32, #tpu.memory_space<vmem>>) target(%dma_start3A_117 : memref<128x128xf32, #tpu.memory_space<vmem_shared>>) target_semaphore(%run_scoped3A_113 : memref<!tpu.dma_semaphore, #tpu.memory_space<semaphore_mem>>)
      %dma_wait3A_118 = arith.constant 0 : i32
      %dma_wait3A_119 = tpu.memref_slice %arg11[%add3A_25, %dma_wait3A_118] : memref<10112x128xf32, #tpu.memory_space<vmem_shared>> -> memref<128x128xf32, #tpu.memory_space<vmem_shared>>
      %dma_wait3A_120 = arith.constant 0 : i32
      %dma_wait3A_121 = tpu.memref_slice %arg11[%add3A_25, %dma_wait3A_120] : memref<10112x128xf32, #tpu.memory_space<vmem_shared>> -> memref<128x128xf32, #tpu.memory_space<vmem_shared>>
      tpu.wait_dma2 semaphore(%run_scoped3A_113 : memref<!tpu.dma_semaphore, #tpu.memory_space<semaphore_mem>>) src(%arg9 : memref<128x128xf32, #tpu.memory_space<vmem>>) dst(%dma_wait3A_121 : memref<128x128xf32, #tpu.memory_space<vmem_shared>>)
      tpu.yield
    }) : () -> ()
    %mul3A_26 = arith.constant 632 : i32
    %mul3A_27 = arith.muli %arg1, %mul3A_26 : i32
    %add3A_28 = arith.constant 384 : i32
    %add3A_29 = arith.addi %mul3A_27, %add3A_28 : i32
    "tpu.region"() ({
      %run_scoped3A_113 = tpu.sem_alloc : memref<!tpu.dma_semaphore, #tpu.memory_space<semaphore_mem>>
      %dma_start3A_114 = arith.constant 0 : i32
      %dma_start3A_115 = tpu.memref_slice %arg11[%add3A_29, %dma_start3A_114] : memref<10112x128xf32, #tpu.memory_space<vmem_shared>> -> memref<128x128xf32, #tpu.memory_space<vmem_shared>>
      %dma_start3A_116 = arith.constant 0 : i32
      %dma_start3A_117 = tpu.memref_slice %arg11[%add3A_29, %dma_start3A_116] : memref<10112x128xf32, #tpu.memory_space<vmem_shared>> -> memref<128x128xf32, #tpu.memory_space<vmem_shared>>
      tpu.enqueue_dma source(%arg9 : memref<128x128xf32, #tpu.memory_space<vmem>>) target(%dma_start3A_117 : memref<128x128xf32, #tpu.memory_space<vmem_shared>>) target_semaphore(%run_scoped3A_113 : memref<!tpu.dma_semaphore, #tpu.memory_space<semaphore_mem>>)
      %dma_wait3A_118 = arith.constant 0 : i32
      %dma_wait3A_119 = tpu.memref_slice %arg11[%add3A_29, %dma_wait3A_118] : memref<10112x128xf32, #tpu.memory_space<vmem_shared>> -> memref<128x128xf32, #tpu.memory_space<vmem_shared>>
      %dma_wait3A_120 = arith.constant 0 : i32
      %dma_wait3A_121 = tpu.memref_slice %arg11[%add3A_29, %dma_wait3A_120] : memref<10112x128xf32, #tpu.memory_space<vmem_shared>> -> memref<128x128xf32, #tpu.memory_space<vmem_shared>>
      tpu.wait_dma2 semaphore(%run_scoped3A_113 : memref<!tpu.dma_semaphore, #tpu.memory_space<semaphore_mem>>) src(%arg9 : memref<128x128xf32, #tpu.memory_space<vmem>>) dst(%dma_wait3A_121 : memref<128x128xf32, #tpu.memory_space<vmem_shared>>)
      tpu.yield
    }) : () -> ()
    %mul3A_30 = arith.constant 632 : i32
    %mul3A_31 = arith.muli %arg1, %mul3A_30 : i32
    %add3A_32 = arith.constant 512 : i32
    %add3A_33 = arith.addi %mul3A_31, %add3A_32 : i32
    "tpu.region"() ({
      %run_scoped3A_113 = tpu.sem_alloc : memref<!tpu.dma_semaphore, #tpu.memory_space<semaphore_mem>>
      %dma_start3A_114 = arith.constant 0 : i32
      %dma_start3A_115 = arith.constant 0 : i32
      %dma_start3A_116 = tpu.memref_slice %arg9[%dma_start3A_114, %dma_start3A_115] : memref<128x128xf32, #tpu.memory_space<vmem>> -> memref<120x128xf32, #tpu.memory_space<vmem>>
      %dma_start3A_117 = arith.constant 0 : i32
      %dma_start3A_118 = tpu.memref_slice %arg11[%add3A_33, %dma_start3A_117] : memref<10112x128xf32, #tpu.memory_space<vmem_shared>> -> memref<120x128xf32, #tpu.memory_space<vmem_shared>>
      %dma_start3A_119 = arith.constant 0 : i32
      %dma_start3A_120 = tpu.memref_slice %arg11[%add3A_33, %dma_start3A_119] : memref<10112x128xf32, #tpu.memory_space<vmem_shared>> -> memref<120x128xf32, #tpu.memory_space<vmem_shared>>
      %dma_start3A_121 = arith.constant 0 : i32
      %dma_start3A_122 = arith.constant 0 : i32
      %dma_start3A_123 = tpu.memref_slice %arg9[%dma_start3A_121, %dma_start3A_122] : memref<128x128xf32, #tpu.memory_space<vmem>> -> memref<120x128xf32, #tpu.memory_space<vmem>>
      tpu.enqueue_dma source(%dma_start3A_123 : memref<120x128xf32, #tpu.memory_space<vmem>>) target(%dma_start3A_120 : memref<120x128xf32, #tpu.memory_space<vmem_shared>>) target_semaphore(%run_scoped3A_113 : memref<!tpu.dma_semaphore, #tpu.memory_space<semaphore_mem>>)
      %dma_wait3A_124 = arith.constant 0 : i32
      %dma_wait3A_125 = arith.constant 0 : i32
      %dma_wait3A_126 = tpu.memref_slice %arg9[%dma_wait3A_124, %dma_wait3A_125] : memref<128x128xf32, #tpu.memory_space<vmem>> -> memref<120x128xf32, #tpu.memory_space<vmem>>
      %dma_wait3A_127 = arith.constant 0 : i32
      %dma_wait3A_128 = tpu.memref_slice %arg11[%add3A_33, %dma_wait3A_127] : memref<10112x128xf32, #tpu.memory_space<vmem_shared>> -> memref<120x128xf32, #tpu.memory_space<vmem_shared>>
      %dma_wait3A_129 = arith.constant 0 : i32
      %dma_wait3A_130 = tpu.memref_slice %arg11[%add3A_33, %dma_wait3A_129] : memref<10112x128xf32, #tpu.memory_space<vmem_shared>> -> memref<120x128xf32, #tpu.memory_space<vmem_shared>>
      %dma_wait3A_131 = arith.constant 0 : i32
      %dma_wait3A_132 = arith.constant 0 : i32
      %dma_wait3A_133 = tpu.memref_slice %arg9[%dma_wait3A_131, %dma_wait3A_132] : memref<128x128xf32, #tpu.memory_space<vmem>> -> memref<120x128xf32, #tpu.memory_space<vmem>>
      tpu.wait_dma2 semaphore(%run_scoped3A_113 : memref<!tpu.dma_semaphore, #tpu.memory_space<semaphore_mem>>) src(%dma_wait3A_133 : memref<120x128xf32, #tpu.memory_space<vmem>>) dst(%dma_wait3A_130 : memref<120x128xf32, #tpu.memory_space<vmem_shared>>)
      tpu.yield
    }) : () -> ()
    %dma_start3A_34 = arith.constant 0 : i32
    %dma_start3A_35 = arith.constant 0 : i32
    %dma_start3A_36 = tpu.memref_slice %arg4[%add3A, %dma_start3A_34, %dma_start3A_35] : memref<32x80x128xi32, #tpu.memory_space<hbm>> -> memref<1x1x128xi32, #tpu.memory_space<hbm>>
    %dma_start3A_37 = tpu.memref_squeeze %dma_start3A_36 : memref<1x1x128xi32, #tpu.memory_space<hbm>> -> memref<1x128xi32, #tpu.memory_space<hbm>>
    %dma_start3A_38 = arith.constant 0 : i32
    %dma_start3A_39 = arith.constant 0 : i32
    %dma_start3A_40 = tpu.memref_slice %arg4[%add3A, %dma_start3A_38, %dma_start3A_39] : memref<32x80x128xi32, #tpu.memory_space<hbm>> -> memref<1x1x128xi32, #tpu.memory_space<hbm>>
    %dma_start3A_41 = tpu.memref_squeeze %dma_start3A_40 : memref<1x1x128xi32, #tpu.memory_space<hbm>> -> memref<1x128xi32, #tpu.memory_space<hbm>>
    tpu.enqueue_dma source(%dma_start3A_41 : memref<1x128xi32, #tpu.memory_space<hbm>>) target(%arg7 : memref<1x128xi32, #tpu.memory_space<vmem>>) target_semaphore(%arg14 : memref<!tpu.dma_semaphore, #tpu.memory_space<semaphore_mem>>)
    %dma_start3A_42 = arith.constant 1 : i32
    %dma_start3A_43 = arith.constant 0 : i32
    %dma_start3A_44 = tpu.memref_slice %arg4[%add3A, %dma_start3A_42, %dma_start3A_43] : memref<32x80x128xi32, #tpu.memory_space<hbm>> -> memref<1x1x128xi32, #tpu.memory_space<hbm>>
    %dma_start3A_45 = tpu.memref_squeeze %dma_start3A_44 : memref<1x1x128xi32, #tpu.memory_space<hbm>> -> memref<1x128xi32, #tpu.memory_space<hbm>>
    %dma_start3A_46 = arith.constant 1 : i32
    %dma_start3A_47 = arith.constant 0 : i32
    %dma_start3A_48 = tpu.memref_slice %arg4[%add3A, %dma_start3A_46, %dma_start3A_47] : memref<32x80x128xi32, #tpu.memory_space<hbm>> -> memref<1x1x128xi32, #tpu.memory_space<hbm>>
    %dma_start3A_49 = tpu.memref_squeeze %dma_start3A_48 : memref<1x1x128xi32, #tpu.memory_space<hbm>> -> memref<1x128xi32, #tpu.memory_space<hbm>>
    tpu.enqueue_dma source(%dma_start3A_49 : memref<1x128xi32, #tpu.memory_space<hbm>>) target(%arg8 : memref<1x128xi32, #tpu.memory_space<vmem>>) target_semaphore(%arg15 : memref<!tpu.dma_semaphore, #tpu.memory_space<semaphore_mem>>)
    %dma_wait3A = arith.constant 0 : i32
    %dma_wait3A_50 = arith.constant 0 : i32
    %dma_wait3A_51 = tpu.memref_slice %arg3[%add3A, %dma_wait3A, %dma_wait3A_50] : memref<32x80x128xi32, #tpu.memory_space<hbm>> -> memref<1x80x128xi32, #tpu.memory_space<hbm>>
    %dma_wait3A_52 = tpu.memref_squeeze %dma_wait3A_51 : memref<1x80x128xi32, #tpu.memory_space<hbm>> -> memref<80x128xi32, #tpu.memory_space<hbm>>
    %dma_wait3A_53 = arith.constant 0 : i32
    %dma_wait3A_54 = arith.constant 0 : i32
    %dma_wait3A_55 = tpu.memref_slice %arg3[%add3A, %dma_wait3A_53, %dma_wait3A_54] : memref<32x80x128xi32, #tpu.memory_space<hbm>> -> memref<1x80x128xi32, #tpu.memory_space<hbm>>
    %dma_wait3A_56 = tpu.memref_squeeze %dma_wait3A_55 : memref<1x80x128xi32, #tpu.memory_space<hbm>> -> memref<80x128xi32, #tpu.memory_space<hbm>>
    tpu.wait_dma2 semaphore(%arg16 : memref<!tpu.dma_semaphore, #tpu.memory_space<semaphore_mem>>) src(%dma_wait3A_56 : memref<80x128xi32, #tpu.memory_space<hbm>>) dst(%arg6 : memref<80x128xi32, #tpu.memory_space<vmem>>)
    %dma_start3A_57 = arith.constant 0 : i32
    %dma_start3A_58 = arith.constant 0 : i32
    %dma_start3A_59 = tpu.memref_slice %arg6[%dma_start3A_57, %dma_start3A_58] : memref<80x128xi32, #tpu.memory_space<vmem>> -> memref<1x128xi32, #tpu.memory_space<vmem>>
    %dma_start3A_60 = tpu.memref_squeeze %dma_start3A_59 : memref<1x128xi32, #tpu.memory_space<vmem>> -> memref<128xi32, #tpu.memory_space<vmem>>
    %dma_start3A_61 = arith.constant 0 : i32
    %dma_start3A_62 = arith.constant 0 : i32
    %dma_start3A_63 = tpu.memref_slice %arg2[%dma_start3A_61, %dma_start3A_62] : memref<10112x128xf32, #tpu.memory_space<hbm>> -> memref<10112x128xf32, #tpu.memory_space<hbm>>
    tpu.enqueue_indirect_dma source(%dma_start3A_63 : memref<10112x128xf32, #tpu.memory_space<hbm>>) target(%arg9 : memref<128x128xf32, #tpu.memory_space<vmem>>) offsets(%dma_start3A_60 : memref<128xi32, #tpu.memory_space<vmem>>) semaphore(%arg12 : memref<!tpu.dma_semaphore, #tpu.memory_space<semaphore_mem>>)
    %dma_start3A_64 = arith.constant 1 : i32
    %dma_start3A_65 = arith.constant 0 : i32
    %dma_start3A_66 = tpu.memref_slice %arg6[%dma_start3A_64, %dma_start3A_65] : memref<80x128xi32, #tpu.memory_space<vmem>> -> memref<1x128xi32, #tpu.memory_space<vmem>>
    %dma_start3A_67 = tpu.memref_squeeze %dma_start3A_66 : memref<1x128xi32, #tpu.memory_space<vmem>> -> memref<128xi32, #tpu.memory_space<vmem>>
    %dma_start3A_68 = arith.constant 0 : i32
    %dma_start3A_69 = arith.constant 0 : i32
    %dma_start3A_70 = tpu.memref_slice %arg2[%dma_start3A_68, %dma_start3A_69] : memref<10112x128xf32, #tpu.memory_space<hbm>> -> memref<10112x128xf32, #tpu.memory_space<hbm>>
    tpu.enqueue_indirect_dma source(%dma_start3A_70 : memref<10112x128xf32, #tpu.memory_space<hbm>>) target(%arg10 : memref<128x128xf32, #tpu.memory_space<vmem>>) offsets(%dma_start3A_67 : memref<128xi32, #tpu.memory_space<vmem>>) semaphore(%arg13 : memref<!tpu.dma_semaphore, #tpu.memory_space<semaphore_mem>>)
    %barrier3A = arith.constant 0 : index
    tpu.barrier barrier_id(%barrier3A)
    %scan3A_71 = arith.constant 0 : i32
    %scan3A_72 = arith.constant 0 : i32
    %scan3A_73 = arith.constant 39 : i32
    %scan3A_74 = arith.addi %scan3A_72, %scan3A_73 : i32
    %scan3A_75 = arith.constant 1 : i32
    scf.for %scan3A_113 = %scan3A_72 to %scan3A_74 step %scan3A_75  : i32 {
      %mul3A_114 = arith.constant 2 : i32
      %mul3A_115 = arith.muli %mul3A_114, %scan3A_113 : i32
      %dma_wait3A_116 = arith.constant 0 : i32
      %dma_wait3A_117 = tpu.memref_slice %arg6[%mul3A_115, %dma_wait3A_116] : memref<80x128xi32, #tpu.memory_space<vmem>> -> memref<1x128xi32, #tpu.memory_space<vmem>>
      %dma_wait3A_118 = tpu.memref_squeeze %dma_wait3A_117 : memref<1x128xi32, #tpu.memory_space<vmem>> -> memref<128xi32, #tpu.memory_space<vmem>>
      %dma_wait3A_119 = arith.constant 0 : i32
      %dma_wait3A_120 = arith.constant 0 : i32
      %dma_wait3A_121 = tpu.memref_slice %arg2[%dma_wait3A_119, %dma_wait3A_120] : memref<10112x128xf32, #tpu.memory_space<hbm>> -> memref<10112x128xf32, #tpu.memory_space<hbm>>
      tpu.wait_indirect_dma semaphore(%arg12 : memref<!tpu.dma_semaphore, #tpu.memory_space<semaphore_mem>>) src(%dma_wait3A_121 : memref<10112x128xf32, #tpu.memory_space<hbm>>) dst(%arg9 : memref<128x128xf32, #tpu.memory_space<vmem>>)
      %dma_wait3A_122 = arith.constant 0 : i32
      %dma_wait3A_123 = tpu.memref_slice %arg4[%add3A, %mul3A_115, %dma_wait3A_122] : memref<32x80x128xi32, #tpu.memory_space<hbm>> -> memref<1x1x128xi32, #tpu.memory_space<hbm>>
      %dma_wait3A_124 = tpu.memref_squeeze %dma_wait3A_123 : memref<1x1x128xi32, #tpu.memory_space<hbm>> -> memref<1x128xi32, #tpu.memory_space<hbm>>
      %dma_wait3A_125 = arith.constant 0 : i32
      %dma_wait3A_126 = tpu.memref_slice %arg4[%add3A, %mul3A_115, %dma_wait3A_125] : memref<32x80x128xi32, #tpu.memory_space<hbm>> -> memref<1x1x128xi32, #tpu.memory_space<hbm>>
      %dma_wait3A_127 = tpu.memref_squeeze %dma_wait3A_126 : memref<1x1x128xi32, #tpu.memory_space<hbm>> -> memref<1x128xi32, #tpu.memory_space<hbm>>
      tpu.wait_dma2 semaphore(%arg14 : memref<!tpu.dma_semaphore, #tpu.memory_space<semaphore_mem>>) src(%dma_wait3A_127 : memref<1x128xi32, #tpu.memory_space<hbm>>) dst(%arg7 : memref<1x128xi32, #tpu.memory_space<vmem>>)
      %run_scoped3A_128 = arith.constant 0 : i32
      "tpu.region"() ({
        %run_scoped3A_178 = tpu.sem_alloc : memref<!tpu.dma_semaphore, #tpu.memory_space<semaphore_mem>>
        %dma_start3A_179 = arith.constant 0 : i32
        %dma_start3A_180 = tpu.memref_slice %arg7[%run_scoped3A_128, %dma_start3A_179] : memref<1x128xi32, #tpu.memory_space<vmem>> -> memref<1x128xi32, #tpu.memory_space<vmem>>
        %dma_start3A_181 = tpu.memref_squeeze %dma_start3A_180 : memref<1x128xi32, #tpu.memory_space<vmem>> -> memref<128xi32, #tpu.memory_space<vmem>>
        %dma_start3A_182 = arith.constant 0 : i32
        %dma_start3A_183 = arith.constant 0 : i32
        %dma_start3A_184 = tpu.memref_slice %arg11[%dma_start3A_182, %dma_start3A_183] : memref<10112x128xf32, #tpu.memory_space<vmem_shared>> -> memref<10112x128xf32, #tpu.memory_space<vmem_shared>>
        tpu.enqueue_indirect_dma source(%arg9 : memref<128x128xf32, #tpu.memory_space<vmem>>) target(%dma_start3A_184 : memref<10112x128xf32, #tpu.memory_space<vmem_shared>>) offsets(%dma_start3A_181 : memref<128xi32, #tpu.memory_space<vmem>>) semaphore(%run_scoped3A_178 : memref<!tpu.dma_semaphore, #tpu.memory_space<semaphore_mem>>) {add = true}
        %dma_wait3A_185 = arith.constant 0 : i32
        %dma_wait3A_186 = tpu.memref_slice %arg7[%run_scoped3A_128, %dma_wait3A_185] : memref<1x128xi32, #tpu.memory_space<vmem>> -> memref<1x128xi32, #tpu.memory_space<vmem>>
        %dma_wait3A_187 = tpu.memref_squeeze %dma_wait3A_186 : memref<1x128xi32, #tpu.memory_space<vmem>> -> memref<128xi32, #tpu.memory_space<vmem>>
        %dma_wait3A_188 = arith.constant 0 : i32
        %dma_wait3A_189 = arith.constant 0 : i32
        %dma_wait3A_190 = tpu.memref_slice %arg11[%dma_wait3A_188, %dma_wait3A_189] : memref<10112x128xf32, #tpu.memory_space<vmem_shared>> -> memref<10112x128xf32, #tpu.memory_space<vmem_shared>>
        tpu.wait_indirect_dma semaphore(%run_scoped3A_178 : memref<!tpu.dma_semaphore, #tpu.memory_space<semaphore_mem>>) src(%arg9 : memref<128x128xf32, #tpu.memory_space<vmem>>) dst(%dma_wait3A_190 : memref<10112x128xf32, #tpu.memory_space<vmem_shared>>)
        tpu.yield
      }) : () -> ()
      %add3A_129 = arith.constant 2 : i32
      %add3A_130 = arith.addi %mul3A_115, %add3A_129 : i32
      %dma_start3A_131 = arith.constant 0 : i32
      %dma_start3A_132 = tpu.memref_slice %arg4[%add3A, %add3A_130, %dma_start3A_131] : memref<32x80x128xi32, #tpu.memory_space<hbm>> -> memref<1x1x128xi32, #tpu.memory_space<hbm>>
      %dma_start3A_133 = tpu.memref_squeeze %dma_start3A_132 : memref<1x1x128xi32, #tpu.memory_space<hbm>> -> memref<1x128xi32, #tpu.memory_space<hbm>>
      %dma_start3A_134 = arith.constant 0 : i32
      %dma_start3A_135 = tpu.memref_slice %arg4[%add3A, %add3A_130, %dma_start3A_134] : memref<32x80x128xi32, #tpu.memory_space<hbm>> -> memref<1x1x128xi32, #tpu.memory_space<hbm>>
      %dma_start3A_136 = tpu.memref_squeeze %dma_start3A_135 : memref<1x1x128xi32, #tpu.memory_space<hbm>> -> memref<1x128xi32, #tpu.memory_space<hbm>>
      tpu.enqueue_dma source(%dma_start3A_136 : memref<1x128xi32, #tpu.memory_space<hbm>>) target(%arg7 : memref<1x128xi32, #tpu.memory_space<vmem>>) target_semaphore(%arg14 : memref<!tpu.dma_semaphore, #tpu.memory_space<semaphore_mem>>)
      %add3A_137 = arith.constant 2 : i32
      %add3A_138 = arith.addi %mul3A_115, %add3A_137 : i32
      %dma_start3A_139 = arith.constant 0 : i32
      %dma_start3A_140 = tpu.memref_slice %arg6[%add3A_138, %dma_start3A_139] : memref<80x128xi32, #tpu.memory_space<vmem>> -> memref<1x128xi32, #tpu.memory_space<vmem>>
      %dma_start3A_141 = tpu.memref_squeeze %dma_start3A_140 : memref<1x128xi32, #tpu.memory_space<vmem>> -> memref<128xi32, #tpu.memory_space<vmem>>
      %dma_start3A_142 = arith.constant 0 : i32
      %dma_start3A_143 = arith.constant 0 : i32
      %dma_start3A_144 = tpu.memref_slice %arg2[%dma_start3A_142, %dma_start3A_143] : memref<10112x128xf32, #tpu.memory_space<hbm>> -> memref<10112x128xf32, #tpu.memory_space<hbm>>
      tpu.enqueue_indirect_dma source(%dma_start3A_144 : memref<10112x128xf32, #tpu.memory_space<hbm>>) target(%arg9 : memref<128x128xf32, #tpu.memory_space<vmem>>) offsets(%dma_start3A_141 : memref<128xi32, #tpu.memory_space<vmem>>) semaphore(%arg12 : memref<!tpu.dma_semaphore, #tpu.memory_space<semaphore_mem>>)
      %add3A_145 = arith.constant 1 : i32
      %add3A_146 = arith.addi %mul3A_115, %add3A_145 : i32
      %dma_wait3A_147 = arith.constant 0 : i32
      %dma_wait3A_148 = tpu.memref_slice %arg6[%add3A_146, %dma_wait3A_147] : memref<80x128xi32, #tpu.memory_space<vmem>> -> memref<1x128xi32, #tpu.memory_space<vmem>>
      %dma_wait3A_149 = tpu.memref_squeeze %dma_wait3A_148 : memref<1x128xi32, #tpu.memory_space<vmem>> -> memref<128xi32, #tpu.memory_space<vmem>>
      %dma_wait3A_150 = arith.constant 0 : i32
      %dma_wait3A_151 = arith.constant 0 : i32
      %dma_wait3A_152 = tpu.memref_slice %arg2[%dma_wait3A_150, %dma_wait3A_151] : memref<10112x128xf32, #tpu.memory_space<hbm>> -> memref<10112x128xf32, #tpu.memory_space<hbm>>
      tpu.wait_indirect_dma semaphore(%arg13 : memref<!tpu.dma_semaphore, #tpu.memory_space<semaphore_mem>>) src(%dma_wait3A_152 : memref<10112x128xf32, #tpu.memory_space<hbm>>) dst(%arg10 : memref<128x128xf32, #tpu.memory_space<vmem>>)
      %add3A_153 = arith.constant 1 : i32
      %add3A_154 = arith.addi %mul3A_115, %add3A_153 : i32
      %dma_wait3A_155 = arith.constant 0 : i32
      %dma_wait3A_156 = tpu.memref_slice %arg4[%add3A, %add3A_154, %dma_wait3A_155] : memref<32x80x128xi32, #tpu.memory_space<hbm>> -> memref<1x1x128xi32, #tpu.memory_space<hbm>>
      %dma_wait3A_157 = tpu.memref_squeeze %dma_wait3A_156 : memref<1x1x128xi32, #tpu.memory_space<hbm>> -> memref<1x128xi32, #tpu.memory_space<hbm>>
      %dma_wait3A_158 = arith.constant 0 : i32
      %dma_wait3A_159 = tpu.memref_slice %arg4[%add3A, %add3A_154, %dma_wait3A_158] : memref<32x80x128xi32, #tpu.memory_space<hbm>> -> memref<1x1x128xi32, #tpu.memory_space<hbm>>
      %dma_wait3A_160 = tpu.memref_squeeze %dma_wait3A_159 : memref<1x1x128xi32, #tpu.memory_space<hbm>> -> memref<1x128xi32, #tpu.memory_space<hbm>>
      tpu.wait_dma2 semaphore(%arg15 : memref<!tpu.dma_semaphore, #tpu.memory_space<semaphore_mem>>) src(%dma_wait3A_160 : memref<1x128xi32, #tpu.memory_space<hbm>>) dst(%arg8 : memref<1x128xi32, #tpu.memory_space<vmem>>)
      %run_scoped3A_161 = arith.constant 0 : i32
      "tpu.region"() ({
        %run_scoped3A_178 = tpu.sem_alloc : memref<!tpu.dma_semaphore, #tpu.memory_space<semaphore_mem>>
        %dma_start3A_179 = arith.constant 0 : i32
        %dma_start3A_180 = tpu.memref_slice %arg8[%run_scoped3A_161, %dma_start3A_179] : memref<1x128xi32, #tpu.memory_space<vmem>> -> memref<1x128xi32, #tpu.memory_space<vmem>>
        %dma_start3A_181 = tpu.memref_squeeze %dma_start3A_180 : memref<1x128xi32, #tpu.memory_space<vmem>> -> memref<128xi32, #tpu.memory_space<vmem>>
        %dma_start3A_182 = arith.constant 0 : i32
        %dma_start3A_183 = arith.constant 0 : i32
        %dma_start3A_184 = tpu.memref_slice %arg11[%dma_start3A_182, %dma_start3A_183] : memref<10112x128xf32, #tpu.memory_space<vmem_shared>> -> memref<10112x128xf32, #tpu.memory_space<vmem_shared>>
        tpu.enqueue_indirect_dma source(%arg10 : memref<128x128xf32, #tpu.memory_space<vmem>>) target(%dma_start3A_184 : memref<10112x128xf32, #tpu.memory_space<vmem_shared>>) offsets(%dma_start3A_181 : memref<128xi32, #tpu.memory_space<vmem>>) semaphore(%run_scoped3A_178 : memref<!tpu.dma_semaphore, #tpu.memory_space<semaphore_mem>>) {add = true}
        %dma_wait3A_185 = arith.constant 0 : i32
        %dma_wait3A_186 = tpu.memref_slice %arg8[%run_scoped3A_161, %dma_wait3A_185] : memref<1x128xi32, #tpu.memory_space<vmem>> -> memref<1x128xi32, #tpu.memory_space<vmem>>
        %dma_wait3A_187 = tpu.memref_squeeze %dma_wait3A_186 : memref<1x128xi32, #tpu.memory_space<vmem>> -> memref<128xi32, #tpu.memory_space<vmem>>
        %dma_wait3A_188 = arith.constant 0 : i32
        %dma_wait3A_189 = arith.constant 0 : i32
        %dma_wait3A_190 = tpu.memref_slice %arg11[%dma_wait3A_188, %dma_wait3A_189] : memref<10112x128xf32, #tpu.memory_space<vmem_shared>> -> memref<10112x128xf32, #tpu.memory_space<vmem_shared>>
        tpu.wait_indirect_dma semaphore(%run_scoped3A_178 : memref<!tpu.dma_semaphore, #tpu.memory_space<semaphore_mem>>) src(%arg10 : memref<128x128xf32, #tpu.memory_space<vmem>>) dst(%dma_wait3A_190 : memref<10112x128xf32, #tpu.memory_space<vmem_shared>>)
        tpu.yield
      }) : () -> ()
      %add3A_162 = arith.constant 3 : i32
      %add3A_163 = arith.addi %mul3A_115, %add3A_162 : i32
      %dma_start3A_164 = arith.constant 0 : i32
      %dma_start3A_165 = tpu.memref_slice %arg4[%add3A, %add3A_163, %dma_start3A_164] : memref<32x80x128xi32, #tpu.memory_space<hbm>> -> memref<1x1x128xi32, #tpu.memory_space<hbm>>
      %dma_start3A_166 = tpu.memref_squeeze %dma_start3A_165 : memref<1x1x128xi32, #tpu.memory_space<hbm>> -> memref<1x128xi32, #tpu.memory_space<hbm>>
      %dma_start3A_167 = arith.constant 0 : i32
      %dma_start3A_168 = tpu.memref_slice %arg4[%add3A, %add3A_163, %dma_start3A_167] : memref<32x80x128xi32, #tpu.memory_space<hbm>> -> memref<1x1x128xi32, #tpu.memory_space<hbm>>
      %dma_start3A_169 = tpu.memref_squeeze %dma_start3A_168 : memref<1x1x128xi32, #tpu.memory_space<hbm>> -> memref<1x128xi32, #tpu.memory_space<hbm>>
      tpu.enqueue_dma source(%dma_start3A_169 : memref<1x128xi32, #tpu.memory_space<hbm>>) target(%arg8 : memref<1x128xi32, #tpu.memory_space<vmem>>) target_semaphore(%arg15 : memref<!tpu.dma_semaphore, #tpu.memory_space<semaphore_mem>>)
      %add3A_170 = arith.constant 3 : i32
      %add3A_171 = arith.addi %mul3A_115, %add3A_170 : i32
      %dma_start3A_172 = arith.constant 0 : i32
      %dma_start3A_173 = tpu.memref_slice %arg6[%add3A_171, %dma_start3A_172] : memref<80x128xi32, #tpu.memory_space<vmem>> -> memref<1x128xi32, #tpu.memory_space<vmem>>
      %dma_start3A_174 = tpu.memref_squeeze %dma_start3A_173 : memref<1x128xi32, #tpu.memory_space<vmem>> -> memref<128xi32, #tpu.memory_space<vmem>>
      %dma_start3A_175 = arith.constant 0 : i32
      %dma_start3A_176 = arith.constant 0 : i32
      %dma_start3A_177 = tpu.memref_slice %arg2[%dma_start3A_175, %dma_start3A_176] : memref<10112x128xf32, #tpu.memory_space<hbm>> -> memref<10112x128xf32, #tpu.memory_space<hbm>>
      tpu.enqueue_indirect_dma source(%dma_start3A_177 : memref<10112x128xf32, #tpu.memory_space<hbm>>) target(%arg10 : memref<128x128xf32, #tpu.memory_space<vmem>>) offsets(%dma_start3A_174 : memref<128xi32, #tpu.memory_space<vmem>>) semaphore(%arg13 : memref<!tpu.dma_semaphore, #tpu.memory_space<semaphore_mem>>)
    }
    %scan3A_76 = arith.constant 39 : i32
    %dma_wait3A_77 = arith.constant 78 : i32
    %dma_wait3A_78 = arith.constant 0 : i32
    %dma_wait3A_79 = tpu.memref_slice %arg6[%dma_wait3A_77, %dma_wait3A_78] : memref<80x128xi32, #tpu.memory_space<vmem>> -> memref<1x128xi32, #tpu.memory_space<vmem>>
    %dma_wait3A_80 = tpu.memref_squeeze %dma_wait3A_79 : memref<1x128xi32, #tpu.memory_space<vmem>> -> memref<128xi32, #tpu.memory_space<vmem>>
    %dma_wait3A_81 = arith.constant 0 : i32
    %dma_wait3A_82 = arith.constant 0 : i32
    %dma_wait3A_83 = tpu.memref_slice %arg2[%dma_wait3A_81, %dma_wait3A_82] : memref<10112x128xf32, #tpu.memory_space<hbm>> -> memref<10112x128xf32, #tpu.memory_space<hbm>>
    tpu.wait_indirect_dma semaphore(%arg12 : memref<!tpu.dma_semaphore, #tpu.memory_space<semaphore_mem>>) src(%dma_wait3A_83 : memref<10112x128xf32, #tpu.memory_space<hbm>>) dst(%arg9 : memref<128x128xf32, #tpu.memory_space<vmem>>)
    %dma_wait3A_84 = arith.constant 78 : i32
    %dma_wait3A_85 = arith.constant 0 : i32
    %dma_wait3A_86 = tpu.memref_slice %arg4[%add3A, %dma_wait3A_84, %dma_wait3A_85] : memref<32x80x128xi32, #tpu.memory_space<hbm>> -> memref<1x1x128xi32, #tpu.memory_space<hbm>>
    %dma_wait3A_87 = tpu.memref_squeeze %dma_wait3A_86 : memref<1x1x128xi32, #tpu.memory_space<hbm>> -> memref<1x128xi32, #tpu.memory_space<hbm>>
    %dma_wait3A_88 = arith.constant 78 : i32
    %dma_wait3A_89 = arith.constant 0 : i32
    %dma_wait3A_90 = tpu.memref_slice %arg4[%add3A, %dma_wait3A_88, %dma_wait3A_89] : memref<32x80x128xi32, #tpu.memory_space<hbm>> -> memref<1x1x128xi32, #tpu.memory_space<hbm>>
    %dma_wait3A_91 = tpu.memref_squeeze %dma_wait3A_90 : memref<1x1x128xi32, #tpu.memory_space<hbm>> -> memref<1x128xi32, #tpu.memory_space<hbm>>
    tpu.wait_dma2 semaphore(%arg14 : memref<!tpu.dma_semaphore, #tpu.memory_space<semaphore_mem>>) src(%dma_wait3A_91 : memref<1x128xi32, #tpu.memory_space<hbm>>) dst(%arg7 : memref<1x128xi32, #tpu.memory_space<vmem>>)
    %run_scoped3A = arith.constant 0 : i32
    "tpu.region"() ({
      %run_scoped3A_113 = tpu.sem_alloc : memref<!tpu.dma_semaphore, #tpu.memory_space<semaphore_mem>>
      %dma_start3A_114 = arith.constant 0 : i32
      %dma_start3A_115 = tpu.memref_slice %arg7[%run_scoped3A, %dma_start3A_114] : memref<1x128xi32, #tpu.memory_space<vmem>> -> memref<1x128xi32, #tpu.memory_space<vmem>>
      %dma_start3A_116 = tpu.memref_squeeze %dma_start3A_115 : memref<1x128xi32, #tpu.memory_space<vmem>> -> memref<128xi32, #tpu.memory_space<vmem>>
      %dma_start3A_117 = arith.constant 0 : i32
      %dma_start3A_118 = arith.constant 0 : i32
      %dma_start3A_119 = tpu.memref_slice %arg11[%dma_start3A_117, %dma_start3A_118] : memref<10112x128xf32, #tpu.memory_space<vmem_shared>> -> memref<10112x128xf32, #tpu.memory_space<vmem_shared>>
      tpu.enqueue_indirect_dma source(%arg9 : memref<128x128xf32, #tpu.memory_space<vmem>>) target(%dma_start3A_119 : memref<10112x128xf32, #tpu.memory_space<vmem_shared>>) offsets(%dma_start3A_116 : memref<128xi32, #tpu.memory_space<vmem>>) semaphore(%run_scoped3A_113 : memref<!tpu.dma_semaphore, #tpu.memory_space<semaphore_mem>>) {add = true}
      %dma_wait3A_120 = arith.constant 0 : i32
      %dma_wait3A_121 = tpu.memref_slice %arg7[%run_scoped3A, %dma_wait3A_120] : memref<1x128xi32, #tpu.memory_space<vmem>> -> memref<1x128xi32, #tpu.memory_space<vmem>>
      %dma_wait3A_122 = tpu.memref_squeeze %dma_wait3A_121 : memref<1x128xi32, #tpu.memory_space<vmem>> -> memref<128xi32, #tpu.memory_space<vmem>>
      %dma_wait3A_123 = arith.constant 0 : i32
      %dma_wait3A_124 = arith.constant 0 : i32
      %dma_wait3A_125 = tpu.memref_slice %arg11[%dma_wait3A_123, %dma_wait3A_124] : memref<10112x128xf32, #tpu.memory_space<vmem_shared>> -> memref<10112x128xf32, #tpu.memory_space<vmem_shared>>
      tpu.wait_indirect_dma semaphore(%run_scoped3A_113 : memref<!tpu.dma_semaphore, #tpu.memory_space<semaphore_mem>>) src(%arg9 : memref<128x128xf32, #tpu.memory_space<vmem>>) dst(%dma_wait3A_125 : memref<10112x128xf32, #tpu.memory_space<vmem_shared>>)
      tpu.yield
    }) : () -> ()
    %dma_wait3A_92 = arith.constant 79 : i32
    %dma_wait3A_93 = arith.constant 0 : i32
    %dma_wait3A_94 = tpu.memref_slice %arg6[%dma_wait3A_92, %dma_wait3A_93] : memref<80x128xi32, #tpu.memory_space<vmem>> -> memref<1x128xi32, #tpu.memory_space<vmem>>
    %dma_wait3A_95 = tpu.memref_squeeze %dma_wait3A_94 : memref<1x128xi32, #tpu.memory_space<vmem>> -> memref<128xi32, #tpu.memory_space<vmem>>
    %dma_wait3A_96 = arith.constant 0 : i32
    %dma_wait3A_97 = arith.constant 0 : i32
    %dma_wait3A_98 = tpu.memref_slice %arg2[%dma_wait3A_96, %dma_wait3A_97] : memref<10112x128xf32, #tpu.memory_space<hbm>> -> memref<10112x128xf32, #tpu.memory_space<hbm>>
    tpu.wait_indirect_dma semaphore(%arg13 : memref<!tpu.dma_semaphore, #tpu.memory_space<semaphore_mem>>) src(%dma_wait3A_98 : memref<10112x128xf32, #tpu.memory_space<hbm>>) dst(%arg10 : memref<128x128xf32, #tpu.memory_space<vmem>>)
    %dma_wait3A_99 = arith.constant 79 : i32
    %dma_wait3A_100 = arith.constant 0 : i32
    %dma_wait3A_101 = tpu.memref_slice %arg4[%add3A, %dma_wait3A_99, %dma_wait3A_100] : memref<32x80x128xi32, #tpu.memory_space<hbm>> -> memref<1x1x128xi32, #tpu.memory_space<hbm>>
    %dma_wait3A_102 = tpu.memref_squeeze %dma_wait3A_101 : memref<1x1x128xi32, #tpu.memory_space<hbm>> -> memref<1x128xi32, #tpu.memory_space<hbm>>
    %dma_wait3A_103 = arith.constant 79 : i32
    %dma_wait3A_104 = arith.constant 0 : i32
    %dma_wait3A_105 = tpu.memref_slice %arg4[%add3A, %dma_wait3A_103, %dma_wait3A_104] : memref<32x80x128xi32, #tpu.memory_space<hbm>> -> memref<1x1x128xi32, #tpu.memory_space<hbm>>
    %dma_wait3A_106 = tpu.memref_squeeze %dma_wait3A_105 : memref<1x1x128xi32, #tpu.memory_space<hbm>> -> memref<1x128xi32, #tpu.memory_space<hbm>>
    tpu.wait_dma2 semaphore(%arg15 : memref<!tpu.dma_semaphore, #tpu.memory_space<semaphore_mem>>) src(%dma_wait3A_106 : memref<1x128xi32, #tpu.memory_space<hbm>>) dst(%arg8 : memref<1x128xi32, #tpu.memory_space<vmem>>)
    %run_scoped3A_107 = arith.constant 0 : i32
    "tpu.region"() ({
      %run_scoped3A_113 = tpu.sem_alloc : memref<!tpu.dma_semaphore, #tpu.memory_space<semaphore_mem>>
      %dma_start3A_114 = arith.constant 0 : i32
      %dma_start3A_115 = tpu.memref_slice %arg8[%run_scoped3A_107, %dma_start3A_114] : memref<1x128xi32, #tpu.memory_space<vmem>> -> memref<1x128xi32, #tpu.memory_space<vmem>>
      %dma_start3A_116 = tpu.memref_squeeze %dma_start3A_115 : memref<1x128xi32, #tpu.memory_space<vmem>> -> memref<128xi32, #tpu.memory_space<vmem>>
      %dma_start3A_117 = arith.constant 0 : i32
      %dma_start3A_118 = arith.constant 0 : i32
      %dma_start3A_119 = tpu.memref_slice %arg11[%dma_start3A_117, %dma_start3A_118] : memref<10112x128xf32, #tpu.memory_space<vmem_shared>> -> memref<10112x128xf32, #tpu.memory_space<vmem_shared>>
      tpu.enqueue_indirect_dma source(%arg10 : memref<128x128xf32, #tpu.memory_space<vmem>>) target(%dma_start3A_119 : memref<10112x128xf32, #tpu.memory_space<vmem_shared>>) offsets(%dma_start3A_116 : memref<128xi32, #tpu.memory_space<vmem>>) semaphore(%run_scoped3A_113 : memref<!tpu.dma_semaphore, #tpu.memory_space<semaphore_mem>>) {add = true}
      %dma_wait3A_120 = arith.constant 0 : i32
      %dma_wait3A_121 = tpu.memref_slice %arg8[%run_scoped3A_107, %dma_wait3A_120] : memref<1x128xi32, #tpu.memory_space<vmem>> -> memref<1x128xi32, #tpu.memory_space<vmem>>
      %dma_wait3A_122 = tpu.memref_squeeze %dma_wait3A_121 : memref<1x128xi32, #tpu.memory_space<vmem>> -> memref<128xi32, #tpu.memory_space<vmem>>
      %dma_wait3A_123 = arith.constant 0 : i32
      %dma_wait3A_124 = arith.constant 0 : i32
      %dma_wait3A_125 = tpu.memref_slice %arg11[%dma_wait3A_123, %dma_wait3A_124] : memref<10112x128xf32, #tpu.memory_space<vmem_shared>> -> memref<10112x128xf32, #tpu.memory_space<vmem_shared>>
      tpu.wait_indirect_dma semaphore(%run_scoped3A_113 : memref<!tpu.dma_semaphore, #tpu.memory_space<semaphore_mem>>) src(%arg10 : memref<128x128xf32, #tpu.memory_space<vmem>>) dst(%dma_wait3A_125 : memref<10112x128xf32, #tpu.memory_space<vmem_shared>>)
      tpu.yield
    }) : () -> ()
    %barrier3A_108 = arith.constant 0 : index
    tpu.barrier barrier_id(%barrier3A_108)
    %mul3A_109 = arith.constant 632 : i32
    %mul3A_110 = arith.muli %arg1, %mul3A_109 : i32
    %mul3A_111 = arith.constant 632 : i32
    %mul3A_112 = arith.muli %arg1, %mul3A_111 : i32
    "tpu.region"() ({
      %run_scoped3A_113 = tpu.sem_alloc : memref<!tpu.dma_semaphore, #tpu.memory_space<semaphore_mem>>
      %dma_start3A_114 = arith.constant 0 : i32
      %dma_start3A_115 = tpu.memref_slice %arg5[%arg0, %mul3A_112, %dma_start3A_114] : memref<2x10112x128xf32, #tpu.memory_space<hbm>> -> memref<1x632x128xf32, #tpu.memory_space<hbm>>
      %dma_start3A_116 = tpu.memref_squeeze %dma_start3A_115 : memref<1x632x128xf32, #tpu.memory_space<hbm>> -> memref<632x128xf32, #tpu.memory_space<hbm>>
      %dma_start3A_117 = arith.constant 0 : i32
      %dma_start3A_118 = tpu.memref_slice %arg11[%mul3A_110, %dma_start3A_117] : memref<10112x128xf32, #tpu.memory_space<vmem_shared>> -> memref<632x128xf32, #tpu.memory_space<vmem_shared>>
      tpu.enqueue_dma source(%dma_start3A_118 : memref<632x128xf32, #tpu.memory_space<vmem_shared>>) target(%dma_start3A_116 : memref<632x128xf32, #tpu.memory_space<hbm>>) target_semaphore(%run_scoped3A_113 : memref<!tpu.dma_semaphore, #tpu.memory_space<semaphore_mem>>)
      %dma_wait3A_119 = arith.constant 0 : i32
      %dma_wait3A_120 = tpu.memref_slice %arg5[%arg0, %mul3A_112, %dma_wait3A_119] : memref<2x10112x128xf32, #tpu.memory_space<hbm>> -> memref<1x632x128xf32, #tpu.memory_space<hbm>>
      %dma_wait3A_121 = tpu.memref_squeeze %dma_wait3A_120 : memref<1x632x128xf32, #tpu.memory_space<hbm>> -> memref<632x128xf32, #tpu.memory_space<hbm>>
      %dma_wait3A_122 = arith.constant 0 : i32
      %dma_wait3A_123 = tpu.memref_slice %arg11[%mul3A_110, %dma_wait3A_122] : memref<10112x128xf32, #tpu.memory_space<vmem_shared>> -> memref<632x128xf32, #tpu.memory_space<vmem_shared>>
      tpu.wait_dma2 semaphore(%run_scoped3A_113 : memref<!tpu.dma_semaphore, #tpu.memory_space<semaphore_mem>>) src(%dma_wait3A_123 : memref<632x128xf32, #tpu.memory_space<vmem_shared>>) dst(%dma_wait3A_121 : memref<632x128xf32, #tpu.memory_space<hbm>>)
      tpu.yield
    }) : () -> ()
    return
  }
}

#map = affine_map<(d0, d1) -> (0, 0)>
#map1 = affine_map<(d0, d1) -> (0, 0, 0)>
module attributes {stable_mosaic.version = 14 : i64} {
  func.func @_agg_body(%arg0: i32, %arg1: i32, %arg2: memref<10112x128xf32, #tpu.memory_space<hbm>>, %arg3: memref<32x80x128xi32, #tpu.memory_space<hbm>>, %arg4: memref<32x80x128xi32, #tpu.memory_space<hbm>>, %arg5: memref<2x10112x128xf32, #tpu.memory_space<hbm>>, %arg6: memref<80x128xi32, #tpu.memory_space<vmem>>, %arg7: memref<1x128xi32, #tpu.memory_space<vmem>>, %arg8: memref<1x128xi32, #tpu.memory_space<vmem>>, %arg9: memref<128x128xf32, #tpu.memory_space<vmem>>, %arg10: memref<128x128xf32, #tpu.memory_space<vmem>>, %arg11: memref<10112x128xf32, #tpu.memory_space<vmem_shared>>, %arg12: memref<!tpu.dma_semaphore, #tpu.memory_space<semaphore_mem>>, %arg13: memref<!tpu.dma_semaphore, #tpu.memory_space<semaphore_mem>>, %arg14: memref<!tpu.dma_semaphore, #tpu.memory_space<semaphore_mem>>, %arg15: memref<!tpu.dma_semaphore, #tpu.memory_space<semaphore_mem>>, %arg16: memref<!tpu.dma_semaphore, #tpu.memory_space<semaphore_mem>>) attributes {dimension_semantics = [#tpu.dimension_semantics<core_parallel>, #tpu.dimension_semantics<subcore_parallel>], iteration_bounds = array<i64: 2, 16>, scalar_prefetch = 0 : i64, scratch_operands = 11 : i64, tpu.core_type = #tpu.core_type<sc_vector_subcore>, window_params = [{transform_indices = #map}, {transform_indices = #map1}, {transform_indices = #map1}, {transform_indices = #map1}]} {
    %mul3A = arith.constant 16 : i32
    %mul3A_0 = arith.muli %arg0, %mul3A : i32
    %add3A = arith.addi %mul3A_0, %arg1 : i32
    %dma_start3A = arith.constant 0 : i32
    %dma_start3A_1 = arith.constant 0 : i32
    %dma_start3A_2 = tpu.memref_slice %arg3[%add3A, %dma_start3A, %dma_start3A_1] : memref<32x80x128xi32, #tpu.memory_space<hbm>> -> memref<1x80x128xi32, #tpu.memory_space<hbm>>
    %dma_start3A_3 = tpu.memref_squeeze %dma_start3A_2 : memref<1x80x128xi32, #tpu.memory_space<hbm>> -> memref<80x128xi32, #tpu.memory_space<hbm>>
    %dma_start3A_4 = arith.constant 0 : i32
    %dma_start3A_5 = arith.constant 0 : i32
    %dma_start3A_6 = tpu.memref_slice %arg3[%add3A, %dma_start3A_4, %dma_start3A_5] : memref<32x80x128xi32, #tpu.memory_space<hbm>> -> memref<1x80x128xi32, #tpu.memory_space<hbm>>
    %dma_start3A_7 = tpu.memref_squeeze %dma_start3A_6 : memref<1x80x128xi32, #tpu.memory_space<hbm>> -> memref<80x128xi32, #tpu.memory_space<hbm>>
    tpu.enqueue_dma source(%dma_start3A_7 : memref<80x128xi32, #tpu.memory_space<hbm>>) target(%arg6 : memref<80x128xi32, #tpu.memory_space<vmem>>) target_semaphore(%arg16 : memref<!tpu.dma_semaphore, #tpu.memory_space<semaphore_mem>>)
    %broadcast_in_dim3A = arith.constant 0.000000e+00 : f32
    %broadcast_in_dim3A_8 = vector.broadcast %broadcast_in_dim3A : f32 to vector<16xf32>
    %scan3A = arith.constant 0 : i32
    %scan3A_9 = arith.constant 0 : i32
    %scan3A_10 = arith.constant 1024 : i32
    %scan3A_11 = arith.addi %scan3A_9, %scan3A_10 : i32
    %scan3A_12 = arith.constant 1 : i32
    scf.for %scan3A_113 = %scan3A_9 to %scan3A_11 step %scan3A_12  : i32 {
      %jit3A = arith.constant 8 : i32
      %div3A = arith.divsi %scan3A_113, %jit3A : i32
      %sign3A = arith.constant 0 : i32
      %sign3A_114 = arith.cmpi sgt, %scan3A_113, %sign3A : i32
      %sign3A_115 = arith.extui %sign3A_114 : i1 to i32
      %sign3A_116 = arith.constant 0 : i32
      %sign3A_117 = arith.cmpi slt, %scan3A_113, %sign3A_116 : i32
      %sign3A_118 = arith.extui %sign3A_117 : i1 to i32
      %sign3A_119 = arith.subi %sign3A_115, %sign3A_118 : i32
      %sign3A_120 = arith.constant 0 : i32
      %sign3A_121 = arith.cmpi sgt, %jit3A, %sign3A_120 : i32
      %sign3A_122 = arith.extui %sign3A_121 : i1 to i32
      %sign3A_123 = arith.constant 0 : i32
      %sign3A_124 = arith.cmpi slt, %jit3A, %sign3A_123 : i32
      %sign3A_125 = arith.extui %sign3A_124 : i1 to i32
      %sign3A_126 = arith.subi %sign3A_122, %sign3A_125 : i32
      %ne3A = arith.cmpi ne, %sign3A_119, %sign3A_126 : i32
      %rem3A = arith.remsi %scan3A_113, %jit3A : i32
      %ne3A_127 = arith.constant 0 : i32
      %ne3A_128 = arith.cmpi ne, %rem3A, %ne3A_127 : i32
      %and3A = arith.andi %ne3A, %ne3A_128 : i1
      %sub3A = arith.constant 1 : i32
      %sub3A_129 = arith.subi %div3A, %sub3A : i32
      %select_n3A = arith.select %and3A, %sub3A_129, %div3A : i32
      %jit3A_130 = arith.constant 8 : i32
      %eq3A = arith.constant 0 : i32
      %eq3A_131 = arith.cmpi eq, %jit3A_130, %eq3A : i32
      %jit3A_132 = arith.constant 1 : i32
      %select_n3A_133 = arith.select %eq3A_131, %jit3A_132, %jit3A_130 : i32
      %rem3A_134 = arith.remsi %scan3A_113, %select_n3A_133 : i32
      %ne3A_135 = arith.constant 0 : i32
      %ne3A_136 = arith.cmpi ne, %rem3A_134, %ne3A_135 : i32
      %lt3A = arith.constant 0 : i32
      %lt3A_137 = arith.cmpi slt, %rem3A_134, %lt3A : i32
      %lt3A_138 = arith.constant 0 : i32
      %lt3A_139 = arith.cmpi slt, %select_n3A_133, %lt3A_138 : i32
      %ne3A_140 = arith.xori %lt3A_137, %lt3A_139 : i1
      %and3A_141 = arith.andi %ne3A_140, %ne3A_136 : i1
      %add3A_142 = arith.addi %rem3A_134, %select_n3A_133 : i32
      %select_n3A_143 = arith.select %and3A_141, %add3A_142, %rem3A_134 : i32
      %mul3A_144 = arith.constant 16 : i32
      %mul3A_145 = arith.muli %select_n3A_143, %mul3A_144 : i32
      %swap3A = arith.index_cast %select_n3A : i32 to index
      %swap3A_146 = arith.index_cast %mul3A_145 : i32 to index
      %swap3A_147 = tpu.vector_load %arg9[%swap3A, %swap3A_146] {strides = array<i32>} : memref<128x128xf32, #tpu.memory_space<vmem>>, vector<1x16xf32>,
      %swap3A_148 = vector.shape_cast %swap3A_147 : vector<1x16xf32> to vector<16xf32>
      %swap3A_149 = vector.shape_cast %broadcast_in_dim3A_8 : vector<16xf32> to vector<1x16xf32>
      tpu.vector_store %arg9[%swap3A, %swap3A_146], %swap3A_149 {strides = array<i32>} : memref<128x128xf32, #tpu.memory_space<vmem>>, vector<1x16xf32>,
    }
    %scan3A_13 = arith.constant 1024 : i32
    %mul3A_14 = arith.constant 632 : i32
    %mul3A_15 = arith.muli %arg1, %mul3A_14 : i32
    %add3A_16 = arith.constant 0 : i32
    %add3A_17 = arith.addi %mul3A_15, %add3A_16 : i32
    "tpu.region"() ({
      %run_scoped3A_113 = tpu.sem_alloc : memref<!tpu.dma_semaphore, #tpu.memory_space<semaphore_mem>>
      %dma_start3A_114 = arith.constant 0 : i32
      %dma_start3A_115 = tpu.memref_slice %arg11[%add3A_17, %dma_start3A_114] : memref<10112x128xf32, #tpu.memory_space<vmem_shared>> -> memref<128x128xf32, #tpu.memory_space<vmem_shared>>
      %dma_start3A_116 = arith.constant 0 : i32
      %dma_start3A_117 = tpu.memref_slice %arg11[%add3A_17, %dma_start3A_116] : memref<10112x128xf32, #tpu.memory_space<vmem_shared>> -> memref<128x128xf32, #tpu.memory_space<vmem_shared>>
      tpu.enqueue_dma source(%arg9 : memref<128x128xf32, #tpu.memory_space<vmem>>) target(%dma_start3A_117 : memref<128x128xf32, #tpu.memory_space<vmem_shared>>) target_semaphore(%run_scoped3A_113 : memref<!tpu.dma_semaphore, #tpu.memory_space<semaphore_mem>>)
      %dma_wait3A_118 = arith.constant 0 : i32
      %dma_wait3A_119 = tpu.memref_slice %arg11[%add3A_17, %dma_wait3A_118] : memref<10112x128xf32, #tpu.memory_space<vmem_shared>> -> memref<128x128xf32, #tpu.memory_space<vmem_shared>>
      %dma_wait3A_120 = arith.constant 0 : i32
      %dma_wait3A_121 = tpu.memref_slice %arg11[%add3A_17, %dma_wait3A_120] : memref<10112x128xf32, #tpu.memory_space<vmem_shared>> -> memref<128x128xf32, #tpu.memory_space<vmem_shared>>
      tpu.wait_dma2 semaphore(%run_scoped3A_113 : memref<!tpu.dma_semaphore, #tpu.memory_space<semaphore_mem>>) src(%arg9 : memref<128x128xf32, #tpu.memory_space<vmem>>) dst(%dma_wait3A_121 : memref<128x128xf32, #tpu.memory_space<vmem_shared>>)
      tpu.yield
    }) : () -> ()
    %mul3A_18 = arith.constant 632 : i32
    %mul3A_19 = arith.muli %arg1, %mul3A_18 : i32
    %add3A_20 = arith.constant 128 : i32
    %add3A_21 = arith.addi %mul3A_19, %add3A_20 : i32
    "tpu.region"() ({
      %run_scoped3A_113 = tpu.sem_alloc : memref<!tpu.dma_semaphore, #tpu.memory_space<semaphore_mem>>
      %dma_start3A_114 = arith.constant 0 : i32
      %dma_start3A_115 = tpu.memref_slice %arg11[%add3A_21, %dma_start3A_114] : memref<10112x128xf32, #tpu.memory_space<vmem_shared>> -> memref<128x128xf32, #tpu.memory_space<vmem_shared>>
      %dma_start3A_116 = arith.constant 0 : i32
      %dma_start3A_117 = tpu.memref_slice %arg11[%add3A_21, %dma_start3A_116] : memref<10112x128xf32, #tpu.memory_space<vmem_shared>> -> memref<128x128xf32, #tpu.memory_space<vmem_shared>>
      tpu.enqueue_dma source(%arg9 : memref<128x128xf32, #tpu.memory_space<vmem>>) target(%dma_start3A_117 : memref<128x128xf32, #tpu.memory_space<vmem_shared>>) target_semaphore(%run_scoped3A_113 : memref<!tpu.dma_semaphore, #tpu.memory_space<semaphore_mem>>)
      %dma_wait3A_118 = arith.constant 0 : i32
      %dma_wait3A_119 = tpu.memref_slice %arg11[%add3A_21, %dma_wait3A_118] : memref<10112x128xf32, #tpu.memory_space<vmem_shared>> -> memref<128x128xf32, #tpu.memory_space<vmem_shared>>
      %dma_wait3A_120 = arith.constant 0 : i32
      %dma_wait3A_121 = tpu.memref_slice %arg11[%add3A_21, %dma_wait3A_120] : memref<10112x128xf32, #tpu.memory_space<vmem_shared>> -> memref<128x128xf32, #tpu.memory_space<vmem_shared>>
      tpu.wait_dma2 semaphore(%run_scoped3A_113 : memref<!tpu.dma_semaphore, #tpu.memory_space<semaphore_mem>>) src(%arg9 : memref<128x128xf32, #tpu.memory_space<vmem>>) dst(%dma_wait3A_121 : memref<128x128xf32, #tpu.memory_space<vmem_shared>>)
      tpu.yield
    }) : () -> ()
    %mul3A_22 = arith.constant 632 : i32
    %mul3A_23 = arith.muli %arg1, %mul3A_22 : i32
    %add3A_24 = arith.constant 256 : i32
    %add3A_25 = arith.addi %mul3A_23, %add3A_24 : i32
    "tpu.region"() ({
      %run_scoped3A_113 = tpu.sem_alloc : memref<!tpu.dma_semaphore, #tpu.memory_space<semaphore_mem>>
      %dma_start3A_114 = arith.constant 0 : i32
      %dma_start3A_115 = tpu.memref_slice %arg11[%add3A_25, %dma_start3A_114] : memref<10112x128xf32, #tpu.memory_space<vmem_shared>> -> memref<128x128xf32, #tpu.memory_space<vmem_shared>>
      %dma_start3A_116 = arith.constant 0 : i32
      %dma_start3A_117 = tpu.memref_slice %arg11[%add3A_25, %dma_start3A_116] : memref<10112x128xf32, #tpu.memory_space<vmem_shared>> -> memref<128x128xf32, #tpu.memory_space<vmem_shared>>
      tpu.enqueue_dma source(%arg9 : memref<128x128xf32, #tpu.memory_space<vmem>>) target(%dma_start3A_117 : memref<128x128xf32, #tpu.memory_space<vmem_shared>>) target_semaphore(%run_scoped3A_113 : memref<!tpu.dma_semaphore, #tpu.memory_space<semaphore_mem>>)
      %dma_wait3A_118 = arith.constant 0 : i32
      %dma_wait3A_119 = tpu.memref_slice %arg11[%add3A_25, %dma_wait3A_118] : memref<10112x128xf32, #tpu.memory_space<vmem_shared>> -> memref<128x128xf32, #tpu.memory_space<vmem_shared>>
      %dma_wait3A_120 = arith.constant 0 : i32
      %dma_wait3A_121 = tpu.memref_slice %arg11[%add3A_25, %dma_wait3A_120] : memref<10112x128xf32, #tpu.memory_space<vmem_shared>> -> memref<128x128xf32, #tpu.memory_space<vmem_shared>>
      tpu.wait_dma2 semaphore(%run_scoped3A_113 : memref<!tpu.dma_semaphore, #tpu.memory_space<semaphore_mem>>) src(%arg9 : memref<128x128xf32, #tpu.memory_space<vmem>>) dst(%dma_wait3A_121 : memref<128x128xf32, #tpu.memory_space<vmem_shared>>)
      tpu.yield
    }) : () -> ()
    %mul3A_26 = arith.constant 632 : i32
    %mul3A_27 = arith.muli %arg1, %mul3A_26 : i32
    %add3A_28 = arith.constant 384 : i32
    %add3A_29 = arith.addi %mul3A_27, %add3A_28 : i32
    "tpu.region"() ({
      %run_scoped3A_113 = tpu.sem_alloc : memref<!tpu.dma_semaphore, #tpu.memory_space<semaphore_mem>>
      %dma_start3A_114 = arith.constant 0 : i32
      %dma_start3A_115 = tpu.memref_slice %arg11[%add3A_29, %dma_start3A_114] : memref<10112x128xf32, #tpu.memory_space<vmem_shared>> -> memref<128x128xf32, #tpu.memory_space<vmem_shared>>
      %dma_start3A_116 = arith.constant 0 : i32
      %dma_start3A_117 = tpu.memref_slice %arg11[%add3A_29, %dma_start3A_116] : memref<10112x128xf32, #tpu.memory_space<vmem_shared>> -> memref<128x128xf32, #tpu.memory_space<vmem_shared>>
      tpu.enqueue_dma source(%arg9 : memref<128x128xf32, #tpu.memory_space<vmem>>) target(%dma_start3A_117 : memref<128x128xf32, #tpu.memory_space<vmem_shared>>) target_semaphore(%run_scoped3A_113 : memref<!tpu.dma_semaphore, #tpu.memory_space<semaphore_mem>>)
      %dma_wait3A_118 = arith.constant 0 : i32
      %dma_wait3A_119 = tpu.memref_slice %arg11[%add3A_29, %dma_wait3A_118] : memref<10112x128xf32, #tpu.memory_space<vmem_shared>> -> memref<128x128xf32, #tpu.memory_space<vmem_shared>>
      %dma_wait3A_120 = arith.constant 0 : i32
      %dma_wait3A_121 = tpu.memref_slice %arg11[%add3A_29, %dma_wait3A_120] : memref<10112x128xf32, #tpu.memory_space<vmem_shared>> -> memref<128x128xf32, #tpu.memory_space<vmem_shared>>
      tpu.wait_dma2 semaphore(%run_scoped3A_113 : memref<!tpu.dma_semaphore, #tpu.memory_space<semaphore_mem>>) src(%arg9 : memref<128x128xf32, #tpu.memory_space<vmem>>) dst(%dma_wait3A_121 : memref<128x128xf32, #tpu.memory_space<vmem_shared>>)
      tpu.yield
    }) : () -> ()
    %mul3A_30 = arith.constant 632 : i32
    %mul3A_31 = arith.muli %arg1, %mul3A_30 : i32
    %add3A_32 = arith.constant 512 : i32
    %add3A_33 = arith.addi %mul3A_31, %add3A_32 : i32
    "tpu.region"() ({
      %run_scoped3A_113 = tpu.sem_alloc : memref<!tpu.dma_semaphore, #tpu.memory_space<semaphore_mem>>
      %dma_start3A_114 = arith.constant 0 : i32
      %dma_start3A_115 = arith.constant 0 : i32
      %dma_start3A_116 = tpu.memref_slice %arg9[%dma_start3A_114, %dma_start3A_115] : memref<128x128xf32, #tpu.memory_space<vmem>> -> memref<120x128xf32, #tpu.memory_space<vmem>>
      %dma_start3A_117 = arith.constant 0 : i32
      %dma_start3A_118 = tpu.memref_slice %arg11[%add3A_33, %dma_start3A_117] : memref<10112x128xf32, #tpu.memory_space<vmem_shared>> -> memref<120x128xf32, #tpu.memory_space<vmem_shared>>
      %dma_start3A_119 = arith.constant 0 : i32
      %dma_start3A_120 = tpu.memref_slice %arg11[%add3A_33, %dma_start3A_119] : memref<10112x128xf32, #tpu.memory_space<vmem_shared>> -> memref<120x128xf32, #tpu.memory_space<vmem_shared>>
      %dma_start3A_121 = arith.constant 0 : i32
      %dma_start3A_122 = arith.constant 0 : i32
      %dma_start3A_123 = tpu.memref_slice %arg9[%dma_start3A_121, %dma_start3A_122] : memref<128x128xf32, #tpu.memory_space<vmem>> -> memref<120x128xf32, #tpu.memory_space<vmem>>
      tpu.enqueue_dma source(%dma_start3A_123 : memref<120x128xf32, #tpu.memory_space<vmem>>) target(%dma_start3A_120 : memref<120x128xf32, #tpu.memory_space<vmem_shared>>) target_semaphore(%run_scoped3A_113 : memref<!tpu.dma_semaphore, #tpu.memory_space<semaphore_mem>>)
      %dma_wait3A_124 = arith.constant 0 : i32
      %dma_wait3A_125 = arith.constant 0 : i32
      %dma_wait3A_126 = tpu.memref_slice %arg9[%dma_wait3A_124, %dma_wait3A_125] : memref<128x128xf32, #tpu.memory_space<vmem>> -> memref<120x128xf32, #tpu.memory_space<vmem>>
      %dma_wait3A_127 = arith.constant 0 : i32
      %dma_wait3A_128 = tpu.memref_slice %arg11[%add3A_33, %dma_wait3A_127] : memref<10112x128xf32, #tpu.memory_space<vmem_shared>> -> memref<120x128xf32, #tpu.memory_space<vmem_shared>>
      %dma_wait3A_129 = arith.constant 0 : i32
      %dma_wait3A_130 = tpu.memref_slice %arg11[%add3A_33, %dma_wait3A_129] : memref<10112x128xf32, #tpu.memory_space<vmem_shared>> -> memref<120x128xf32, #tpu.memory_space<vmem_shared>>
      %dma_wait3A_131 = arith.constant 0 : i32
      %dma_wait3A_132 = arith.constant 0 : i32
      %dma_wait3A_133 = tpu.memref_slice %arg9[%dma_wait3A_131, %dma_wait3A_132] : memref<128x128xf32, #tpu.memory_space<vmem>> -> memref<120x128xf32, #tpu.memory_space<vmem>>
      tpu.wait_dma2 semaphore(%run_scoped3A_113 : memref<!tpu.dma_semaphore, #tpu.memory_space<semaphore_mem>>) src(%dma_wait3A_133 : memref<120x128xf32, #tpu.memory_space<vmem>>) dst(%dma_wait3A_130 : memref<120x128xf32, #tpu.memory_space<vmem_shared>>)
      tpu.yield
    }) : () -> ()
    %dma_start3A_34 = arith.constant 0 : i32
    %dma_start3A_35 = arith.constant 0 : i32
    %dma_start3A_36 = tpu.memref_slice %arg4[%add3A, %dma_start3A_34, %dma_start3A_35] : memref<32x80x128xi32, #tpu.memory_space<hbm>> -> memref<1x1x128xi32, #tpu.memory_space<hbm>>
    %dma_start3A_37 = tpu.memref_squeeze %dma_start3A_36 : memref<1x1x128xi32, #tpu.memory_space<hbm>> -> memref<1x128xi32, #tpu.memory_space<hbm>>
    %dma_start3A_38 = arith.constant 0 : i32
    %dma_start3A_39 = arith.constant 0 : i32
    %dma_start3A_40 = tpu.memref_slice %arg4[%add3A, %dma_start3A_38, %dma_start3A_39] : memref<32x80x128xi32, #tpu.memory_space<hbm>> -> memref<1x1x128xi32, #tpu.memory_space<hbm>>
    %dma_start3A_41 = tpu.memref_squeeze %dma_start3A_40 : memref<1x1x128xi32, #tpu.memory_space<hbm>> -> memref<1x128xi32, #tpu.memory_space<hbm>>
    tpu.enqueue_dma source(%dma_start3A_41 : memref<1x128xi32, #tpu.memory_space<hbm>>) target(%arg7 : memref<1x128xi32, #tpu.memory_space<vmem>>) target_semaphore(%arg14 : memref<!tpu.dma_semaphore, #tpu.memory_space<semaphore_mem>>)
    %dma_start3A_42 = arith.constant 1 : i32
    %dma_start3A_43 = arith.constant 0 : i32
    %dma_start3A_44 = tpu.memref_slice %arg4[%add3A, %dma_start3A_42, %dma_start3A_43] : memref<32x80x128xi32, #tpu.memory_space<hbm>> -> memref<1x1x128xi32, #tpu.memory_space<hbm>>
    %dma_start3A_45 = tpu.memref_squeeze %dma_start3A_44 : memref<1x1x128xi32, #tpu.memory_space<hbm>> -> memref<1x128xi32, #tpu.memory_space<hbm>>
    %dma_start3A_46 = arith.constant 1 : i32
    %dma_start3A_47 = arith.constant 0 : i32
    %dma_start3A_48 = tpu.memref_slice %arg4[%add3A, %dma_start3A_46, %dma_start3A_47] : memref<32x80x128xi32, #tpu.memory_space<hbm>> -> memref<1x1x128xi32, #tpu.memory_space<hbm>>
    %dma_start3A_49 = tpu.memref_squeeze %dma_start3A_48 : memref<1x1x128xi32, #tpu.memory_space<hbm>> -> memref<1x128xi32, #tpu.memory_space<hbm>>
    tpu.enqueue_dma source(%dma_start3A_49 : memref<1x128xi32, #tpu.memory_space<hbm>>) target(%arg8 : memref<1x128xi32, #tpu.memory_space<vmem>>) target_semaphore(%arg15 : memref<!tpu.dma_semaphore, #tpu.memory_space<semaphore_mem>>)
    %dma_wait3A = arith.constant 0 : i32
    %dma_wait3A_50 = arith.constant 0 : i32
    %dma_wait3A_51 = tpu.memref_slice %arg3[%add3A, %dma_wait3A, %dma_wait3A_50] : memref<32x80x128xi32, #tpu.memory_space<hbm>> -> memref<1x80x128xi32, #tpu.memory_space<hbm>>
    %dma_wait3A_52 = tpu.memref_squeeze %dma_wait3A_51 : memref<1x80x128xi32, #tpu.memory_space<hbm>> -> memref<80x128xi32, #tpu.memory_space<hbm>>
    %dma_wait3A_53 = arith.constant 0 : i32
    %dma_wait3A_54 = arith.constant 0 : i32
    %dma_wait3A_55 = tpu.memref_slice %arg3[%add3A, %dma_wait3A_53, %dma_wait3A_54] : memref<32x80x128xi32, #tpu.memory_space<hbm>> -> memref<1x80x128xi32, #tpu.memory_space<hbm>>
    %dma_wait3A_56 = tpu.memref_squeeze %dma_wait3A_55 : memref<1x80x128xi32, #tpu.memory_space<hbm>> -> memref<80x128xi32, #tpu.memory_space<hbm>>
    tpu.wait_dma2 semaphore(%arg16 : memref<!tpu.dma_semaphore, #tpu.memory_space<semaphore_mem>>) src(%dma_wait3A_56 : memref<80x128xi32, #tpu.memory_space<hbm>>) dst(%arg6 : memref<80x128xi32, #tpu.memory_space<vmem>>)
    %dma_start3A_57 = arith.constant 0 : i32
    %dma_start3A_58 = arith.constant 0 : i32
    %dma_start3A_59 = tpu.memref_slice %arg6[%dma_start3A_57, %dma_start3A_58] : memref<80x128xi32, #tpu.memory_space<vmem>> -> memref<1x128xi32, #tpu.memory_space<vmem>>
    %dma_start3A_60 = tpu.memref_squeeze %dma_start3A_59 : memref<1x128xi32, #tpu.memory_space<vmem>> -> memref<128xi32, #tpu.memory_space<vmem>>
    %dma_start3A_61 = arith.constant 0 : i32
    %dma_start3A_62 = arith.constant 0 : i32
    %dma_start3A_63 = tpu.memref_slice %arg2[%dma_start3A_61, %dma_start3A_62] : memref<10112x128xf32, #tpu.memory_space<hbm>> -> memref<10112x128xf32, #tpu.memory_space<hbm>>
    tpu.enqueue_indirect_dma source(%dma_start3A_63 : memref<10112x128xf32, #tpu.memory_space<hbm>>) target(%arg9 : memref<128x128xf32, #tpu.memory_space<vmem>>) offsets(%dma_start3A_60 : memref<128xi32, #tpu.memory_space<vmem>>) semaphore(%arg12 : memref<!tpu.dma_semaphore, #tpu.memory_space<semaphore_mem>>)
    %dma_start3A_64 = arith.constant 1 : i32
    %dma_start3A_65 = arith.constant 0 : i32
    %dma_start3A_66 = tpu.memref_slice %arg6[%dma_start3A_64, %dma_start3A_65] : memref<80x128xi32, #tpu.memory_space<vmem>> -> memref<1x128xi32, #tpu.memory_space<vmem>>
    %dma_start3A_67 = tpu.memref_squeeze %dma_start3A_66 : memref<1x128xi32, #tpu.memory_space<vmem>> -> memref<128xi32, #tpu.memory_space<vmem>>
    %dma_start3A_68 = arith.constant 0 : i32
    %dma_start3A_69 = arith.constant 0 : i32
    %dma_start3A_70 = tpu.memref_slice %arg2[%dma_start3A_68, %dma_start3A_69] : memref<10112x128xf32, #tpu.memory_space<hbm>> -> memref<10112x128xf32, #tpu.memory_space<hbm>>
    tpu.enqueue_indirect_dma source(%dma_start3A_70 : memref<10112x128xf32, #tpu.memory_space<hbm>>) target(%arg10 : memref<128x128xf32, #tpu.memory_space<vmem>>) offsets(%dma_start3A_67 : memref<128xi32, #tpu.memory_space<vmem>>) semaphore(%arg13 : memref<!tpu.dma_semaphore, #tpu.memory_space<semaphore_mem>>)
    %barrier3A = arith.constant 0 : index
    tpu.barrier barrier_id(%barrier3A)
    %scan3A_71 = arith.constant 0 : i32
    %scan3A_72 = arith.constant 0 : i32
    %scan3A_73 = arith.constant 39 : i32
    %scan3A_74 = arith.addi %scan3A_72, %scan3A_73 : i32
    %scan3A_75 = arith.constant 1 : i32
    scf.for %scan3A_113 = %scan3A_72 to %scan3A_74 step %scan3A_75  : i32 {
      %mul3A_114 = arith.constant 2 : i32
      %mul3A_115 = arith.muli %mul3A_114, %scan3A_113 : i32
      %dma_wait3A_116 = arith.constant 0 : i32
      %dma_wait3A_117 = tpu.memref_slice %arg6[%mul3A_115, %dma_wait3A_116] : memref<80x128xi32, #tpu.memory_space<vmem>> -> memref<1x128xi32, #tpu.memory_space<vmem>>
      %dma_wait3A_118 = tpu.memref_squeeze %dma_wait3A_117 : memref<1x128xi32, #tpu.memory_space<vmem>> -> memref<128xi32, #tpu.memory_space<vmem>>
      %dma_wait3A_119 = arith.constant 0 : i32
      %dma_wait3A_120 = arith.constant 0 : i32
      %dma_wait3A_121 = tpu.memref_slice %arg2[%dma_wait3A_119, %dma_wait3A_120] : memref<10112x128xf32, #tpu.memory_space<hbm>> -> memref<10112x128xf32, #tpu.memory_space<hbm>>
      tpu.wait_indirect_dma semaphore(%arg12 : memref<!tpu.dma_semaphore, #tpu.memory_space<semaphore_mem>>) src(%dma_wait3A_121 : memref<10112x128xf32, #tpu.memory_space<hbm>>) dst(%arg9 : memref<128x128xf32, #tpu.memory_space<vmem>>)
      %dma_wait3A_122 = arith.constant 0 : i32
      %dma_wait3A_123 = tpu.memref_slice %arg4[%add3A, %mul3A_115, %dma_wait3A_122] : memref<32x80x128xi32, #tpu.memory_space<hbm>> -> memref<1x1x128xi32, #tpu.memory_space<hbm>>
      %dma_wait3A_124 = tpu.memref_squeeze %dma_wait3A_123 : memref<1x1x128xi32, #tpu.memory_space<hbm>> -> memref<1x128xi32, #tpu.memory_space<hbm>>
      %dma_wait3A_125 = arith.constant 0 : i32
      %dma_wait3A_126 = tpu.memref_slice %arg4[%add3A, %mul3A_115, %dma_wait3A_125] : memref<32x80x128xi32, #tpu.memory_space<hbm>> -> memref<1x1x128xi32, #tpu.memory_space<hbm>>
      %dma_wait3A_127 = tpu.memref_squeeze %dma_wait3A_126 : memref<1x1x128xi32, #tpu.memory_space<hbm>> -> memref<1x128xi32, #tpu.memory_space<hbm>>
      tpu.wait_dma2 semaphore(%arg14 : memref<!tpu.dma_semaphore, #tpu.memory_space<semaphore_mem>>) src(%dma_wait3A_127 : memref<1x128xi32, #tpu.memory_space<hbm>>) dst(%arg7 : memref<1x128xi32, #tpu.memory_space<vmem>>)
      %run_scoped3A_128 = arith.constant 0 : i32
      "tpu.region"() ({
        %run_scoped3A_178 = tpu.sem_alloc : memref<!tpu.dma_semaphore, #tpu.memory_space<semaphore_mem>>
        %dma_start3A_179 = arith.constant 0 : i32
        %dma_start3A_180 = tpu.memref_slice %arg7[%run_scoped3A_128, %dma_start3A_179] : memref<1x128xi32, #tpu.memory_space<vmem>> -> memref<1x128xi32, #tpu.memory_space<vmem>>
        %dma_start3A_181 = tpu.memref_squeeze %dma_start3A_180 : memref<1x128xi32, #tpu.memory_space<vmem>> -> memref<128xi32, #tpu.memory_space<vmem>>
        %dma_start3A_182 = arith.constant 0 : i32
        %dma_start3A_183 = arith.constant 0 : i32
        %dma_start3A_184 = tpu.memref_slice %arg11[%dma_start3A_182, %dma_start3A_183] : memref<10112x128xf32, #tpu.memory_space<vmem_shared>> -> memref<10112x128xf32, #tpu.memory_space<vmem_shared>>
        tpu.enqueue_indirect_dma source(%arg9 : memref<128x128xf32, #tpu.memory_space<vmem>>) target(%dma_start3A_184 : memref<10112x128xf32, #tpu.memory_space<vmem_shared>>) offsets(%dma_start3A_181 : memref<128xi32, #tpu.memory_space<vmem>>) semaphore(%run_scoped3A_178 : memref<!tpu.dma_semaphore, #tpu.memory_space<semaphore_mem>>) {add = true}
        %dma_wait3A_185 = arith.constant 0 : i32
        %dma_wait3A_186 = tpu.memref_slice %arg7[%run_scoped3A_128, %dma_wait3A_185] : memref<1x128xi32, #tpu.memory_space<vmem>> -> memref<1x128xi32, #tpu.memory_space<vmem>>
        %dma_wait3A_187 = tpu.memref_squeeze %dma_wait3A_186 : memref<1x128xi32, #tpu.memory_space<vmem>> -> memref<128xi32, #tpu.memory_space<vmem>>
        %dma_wait3A_188 = arith.constant 0 : i32
        %dma_wait3A_189 = arith.constant 0 : i32
        %dma_wait3A_190 = tpu.memref_slice %arg11[%dma_wait3A_188, %dma_wait3A_189] : memref<10112x128xf32, #tpu.memory_space<vmem_shared>> -> memref<10112x128xf32, #tpu.memory_space<vmem_shared>>
        tpu.wait_indirect_dma semaphore(%run_scoped3A_178 : memref<!tpu.dma_semaphore, #tpu.memory_space<semaphore_mem>>) src(%arg9 : memref<128x128xf32, #tpu.memory_space<vmem>>) dst(%dma_wait3A_190 : memref<10112x128xf32, #tpu.memory_space<vmem_shared>>)
        tpu.yield
      }) : () -> ()
      %add3A_129 = arith.constant 2 : i32
      %add3A_130 = arith.addi %mul3A_115, %add3A_129 : i32
      %dma_start3A_131 = arith.constant 0 : i32
      %dma_start3A_132 = tpu.memref_slice %arg4[%add3A, %add3A_130, %dma_start3A_131] : memref<32x80x128xi32, #tpu.memory_space<hbm>> -> memref<1x1x128xi32, #tpu.memory_space<hbm>>
      %dma_start3A_133 = tpu.memref_squeeze %dma_start3A_132 : memref<1x1x128xi32, #tpu.memory_space<hbm>> -> memref<1x128xi32, #tpu.memory_space<hbm>>
      %dma_start3A_134 = arith.constant 0 : i32
      %dma_start3A_135 = tpu.memref_slice %arg4[%add3A, %add3A_130, %dma_start3A_134] : memref<32x80x128xi32, #tpu.memory_space<hbm>> -> memref<1x1x128xi32, #tpu.memory_space<hbm>>
      %dma_start3A_136 = tpu.memref_squeeze %dma_start3A_135 : memref<1x1x128xi32, #tpu.memory_space<hbm>> -> memref<1x128xi32, #tpu.memory_space<hbm>>
      tpu.enqueue_dma source(%dma_start3A_136 : memref<1x128xi32, #tpu.memory_space<hbm>>) target(%arg7 : memref<1x128xi32, #tpu.memory_space<vmem>>) target_semaphore(%arg14 : memref<!tpu.dma_semaphore, #tpu.memory_space<semaphore_mem>>)
      %add3A_137 = arith.constant 2 : i32
      %add3A_138 = arith.addi %mul3A_115, %add3A_137 : i32
      %dma_start3A_139 = arith.constant 0 : i32
      %dma_start3A_140 = tpu.memref_slice %arg6[%add3A_138, %dma_start3A_139] : memref<80x128xi32, #tpu.memory_space<vmem>> -> memref<1x128xi32, #tpu.memory_space<vmem>>
      %dma_start3A_141 = tpu.memref_squeeze %dma_start3A_140 : memref<1x128xi32, #tpu.memory_space<vmem>> -> memref<128xi32, #tpu.memory_space<vmem>>
      %dma_start3A_142 = arith.constant 0 : i32
      %dma_start3A_143 = arith.constant 0 : i32
      %dma_start3A_144 = tpu.memref_slice %arg2[%dma_start3A_142, %dma_start3A_143] : memref<10112x128xf32, #tpu.memory_space<hbm>> -> memref<10112x128xf32, #tpu.memory_space<hbm>>
      tpu.enqueue_indirect_dma source(%dma_start3A_144 : memref<10112x128xf32, #tpu.memory_space<hbm>>) target(%arg9 : memref<128x128xf32, #tpu.memory_space<vmem>>) offsets(%dma_start3A_141 : memref<128xi32, #tpu.memory_space<vmem>>) semaphore(%arg12 : memref<!tpu.dma_semaphore, #tpu.memory_space<semaphore_mem>>)
      %add3A_145 = arith.constant 1 : i32
      %add3A_146 = arith.addi %mul3A_115, %add3A_145 : i32
      %dma_wait3A_147 = arith.constant 0 : i32
      %dma_wait3A_148 = tpu.memref_slice %arg6[%add3A_146, %dma_wait3A_147] : memref<80x128xi32, #tpu.memory_space<vmem>> -> memref<1x128xi32, #tpu.memory_space<vmem>>
      %dma_wait3A_149 = tpu.memref_squeeze %dma_wait3A_148 : memref<1x128xi32, #tpu.memory_space<vmem>> -> memref<128xi32, #tpu.memory_space<vmem>>
      %dma_wait3A_150 = arith.constant 0 : i32
      %dma_wait3A_151 = arith.constant 0 : i32
      %dma_wait3A_152 = tpu.memref_slice %arg2[%dma_wait3A_150, %dma_wait3A_151] : memref<10112x128xf32, #tpu.memory_space<hbm>> -> memref<10112x128xf32, #tpu.memory_space<hbm>>
      tpu.wait_indirect_dma semaphore(%arg13 : memref<!tpu.dma_semaphore, #tpu.memory_space<semaphore_mem>>) src(%dma_wait3A_152 : memref<10112x128xf32, #tpu.memory_space<hbm>>) dst(%arg10 : memref<128x128xf32, #tpu.memory_space<vmem>>)
      %add3A_153 = arith.constant 1 : i32
      %add3A_154 = arith.addi %mul3A_115, %add3A_153 : i32
      %dma_wait3A_155 = arith.constant 0 : i32
      %dma_wait3A_156 = tpu.memref_slice %arg4[%add3A, %add3A_154, %dma_wait3A_155] : memref<32x80x128xi32, #tpu.memory_space<hbm>> -> memref<1x1x128xi32, #tpu.memory_space<hbm>>
      %dma_wait3A_157 = tpu.memref_squeeze %dma_wait3A_156 : memref<1x1x128xi32, #tpu.memory_space<hbm>> -> memref<1x128xi32, #tpu.memory_space<hbm>>
      %dma_wait3A_158 = arith.constant 0 : i32
      %dma_wait3A_159 = tpu.memref_slice %arg4[%add3A, %add3A_154, %dma_wait3A_158] : memref<32x80x128xi32, #tpu.memory_space<hbm>> -> memref<1x1x128xi32, #tpu.memory_space<hbm>>
      %dma_wait3A_160 = tpu.memref_squeeze %dma_wait3A_159 : memref<1x1x128xi32, #tpu.memory_space<hbm>> -> memref<1x128xi32, #tpu.memory_space<hbm>>
      tpu.wait_dma2 semaphore(%arg15 : memref<!tpu.dma_semaphore, #tpu.memory_space<semaphore_mem>>) src(%dma_wait3A_160 : memref<1x128xi32, #tpu.memory_space<hbm>>) dst(%arg8 : memref<1x128xi32, #tpu.memory_space<vmem>>)
      %run_scoped3A_161 = arith.constant 0 : i32
      "tpu.region"() ({
        %run_scoped3A_178 = tpu.sem_alloc : memref<!tpu.dma_semaphore, #tpu.memory_space<semaphore_mem>>
        %dma_start3A_179 = arith.constant 0 : i32
        %dma_start3A_180 = tpu.memref_slice %arg8[%run_scoped3A_161, %dma_start3A_179] : memref<1x128xi32, #tpu.memory_space<vmem>> -> memref<1x128xi32, #tpu.memory_space<vmem>>
        %dma_start3A_181 = tpu.memref_squeeze %dma_start3A_180 : memref<1x128xi32, #tpu.memory_space<vmem>> -> memref<128xi32, #tpu.memory_space<vmem>>
        %dma_start3A_182 = arith.constant 0 : i32
        %dma_start3A_183 = arith.constant 0 : i32
        %dma_start3A_184 = tpu.memref_slice %arg11[%dma_start3A_182, %dma_start3A_183] : memref<10112x128xf32, #tpu.memory_space<vmem_shared>> -> memref<10112x128xf32, #tpu.memory_space<vmem_shared>>
        tpu.enqueue_indirect_dma source(%arg10 : memref<128x128xf32, #tpu.memory_space<vmem>>) target(%dma_start3A_184 : memref<10112x128xf32, #tpu.memory_space<vmem_shared>>) offsets(%dma_start3A_181 : memref<128xi32, #tpu.memory_space<vmem>>) semaphore(%run_scoped3A_178 : memref<!tpu.dma_semaphore, #tpu.memory_space<semaphore_mem>>) {add = true}
        %dma_wait3A_185 = arith.constant 0 : i32
        %dma_wait3A_186 = tpu.memref_slice %arg8[%run_scoped3A_161, %dma_wait3A_185] : memref<1x128xi32, #tpu.memory_space<vmem>> -> memref<1x128xi32, #tpu.memory_space<vmem>>
        %dma_wait3A_187 = tpu.memref_squeeze %dma_wait3A_186 : memref<1x128xi32, #tpu.memory_space<vmem>> -> memref<128xi32, #tpu.memory_space<vmem>>
        %dma_wait3A_188 = arith.constant 0 : i32
        %dma_wait3A_189 = arith.constant 0 : i32
        %dma_wait3A_190 = tpu.memref_slice %arg11[%dma_wait3A_188, %dma_wait3A_189] : memref<10112x128xf32, #tpu.memory_space<vmem_shared>> -> memref<10112x128xf32, #tpu.memory_space<vmem_shared>>
        tpu.wait_indirect_dma semaphore(%run_scoped3A_178 : memref<!tpu.dma_semaphore, #tpu.memory_space<semaphore_mem>>) src(%arg10 : memref<128x128xf32, #tpu.memory_space<vmem>>) dst(%dma_wait3A_190 : memref<10112x128xf32, #tpu.memory_space<vmem_shared>>)
        tpu.yield
      }) : () -> ()
      %add3A_162 = arith.constant 3 : i32
      %add3A_163 = arith.addi %mul3A_115, %add3A_162 : i32
      %dma_start3A_164 = arith.constant 0 : i32
      %dma_start3A_165 = tpu.memref_slice %arg4[%add3A, %add3A_163, %dma_start3A_164] : memref<32x80x128xi32, #tpu.memory_space<hbm>> -> memref<1x1x128xi32, #tpu.memory_space<hbm>>
      %dma_start3A_166 = tpu.memref_squeeze %dma_start3A_165 : memref<1x1x128xi32, #tpu.memory_space<hbm>> -> memref<1x128xi32, #tpu.memory_space<hbm>>
      %dma_start3A_167 = arith.constant 0 : i32
      %dma_start3A_168 = tpu.memref_slice %arg4[%add3A, %add3A_163, %dma_start3A_167] : memref<32x80x128xi32, #tpu.memory_space<hbm>> -> memref<1x1x128xi32, #tpu.memory_space<hbm>>
      %dma_start3A_169 = tpu.memref_squeeze %dma_start3A_168 : memref<1x1x128xi32, #tpu.memory_space<hbm>> -> memref<1x128xi32, #tpu.memory_space<hbm>>
      tpu.enqueue_dma source(%dma_start3A_169 : memref<1x128xi32, #tpu.memory_space<hbm>>) target(%arg8 : memref<1x128xi32, #tpu.memory_space<vmem>>) target_semaphore(%arg15 : memref<!tpu.dma_semaphore, #tpu.memory_space<semaphore_mem>>)
      %add3A_170 = arith.constant 3 : i32
      %add3A_171 = arith.addi %mul3A_115, %add3A_170 : i32
      %dma_start3A_172 = arith.constant 0 : i32
      %dma_start3A_173 = tpu.memref_slice %arg6[%add3A_171, %dma_start3A_172] : memref<80x128xi32, #tpu.memory_space<vmem>> -> memref<1x128xi32, #tpu.memory_space<vmem>>
      %dma_start3A_174 = tpu.memref_squeeze %dma_start3A_173 : memref<1x128xi32, #tpu.memory_space<vmem>> -> memref<128xi32, #tpu.memory_space<vmem>>
      %dma_start3A_175 = arith.constant 0 : i32
      %dma_start3A_176 = arith.constant 0 : i32
      %dma_start3A_177 = tpu.memref_slice %arg2[%dma_start3A_175, %dma_start3A_176] : memref<10112x128xf32, #tpu.memory_space<hbm>> -> memref<10112x128xf32, #tpu.memory_space<hbm>>
      tpu.enqueue_indirect_dma source(%dma_start3A_177 : memref<10112x128xf32, #tpu.memory_space<hbm>>) target(%arg10 : memref<128x128xf32, #tpu.memory_space<vmem>>) offsets(%dma_start3A_174 : memref<128xi32, #tpu.memory_space<vmem>>) semaphore(%arg13 : memref<!tpu.dma_semaphore, #tpu.memory_space<semaphore_mem>>)
    }
    %scan3A_76 = arith.constant 39 : i32
    %dma_wait3A_77 = arith.constant 78 : i32
    %dma_wait3A_78 = arith.constant 0 : i32
    %dma_wait3A_79 = tpu.memref_slice %arg6[%dma_wait3A_77, %dma_wait3A_78] : memref<80x128xi32, #tpu.memory_space<vmem>> -> memref<1x128xi32, #tpu.memory_space<vmem>>
    %dma_wait3A_80 = tpu.memref_squeeze %dma_wait3A_79 : memref<1x128xi32, #tpu.memory_space<vmem>> -> memref<128xi32, #tpu.memory_space<vmem>>
    %dma_wait3A_81 = arith.constant 0 : i32
    %dma_wait3A_82 = arith.constant 0 : i32
    %dma_wait3A_83 = tpu.memref_slice %arg2[%dma_wait3A_81, %dma_wait3A_82] : memref<10112x128xf32, #tpu.memory_space<hbm>> -> memref<10112x128xf32, #tpu.memory_space<hbm>>
    tpu.wait_indirect_dma semaphore(%arg12 : memref<!tpu.dma_semaphore, #tpu.memory_space<semaphore_mem>>) src(%dma_wait3A_83 : memref<10112x128xf32, #tpu.memory_space<hbm>>) dst(%arg9 : memref<128x128xf32, #tpu.memory_space<vmem>>)
    %dma_wait3A_84 = arith.constant 78 : i32
    %dma_wait3A_85 = arith.constant 0 : i32
    %dma_wait3A_86 = tpu.memref_slice %arg4[%add3A, %dma_wait3A_84, %dma_wait3A_85] : memref<32x80x128xi32, #tpu.memory_space<hbm>> -> memref<1x1x128xi32, #tpu.memory_space<hbm>>
    %dma_wait3A_87 = tpu.memref_squeeze %dma_wait3A_86 : memref<1x1x128xi32, #tpu.memory_space<hbm>> -> memref<1x128xi32, #tpu.memory_space<hbm>>
    %dma_wait3A_88 = arith.constant 78 : i32
    %dma_wait3A_89 = arith.constant 0 : i32
    %dma_wait3A_90 = tpu.memref_slice %arg4[%add3A, %dma_wait3A_88, %dma_wait3A_89] : memref<32x80x128xi32, #tpu.memory_space<hbm>> -> memref<1x1x128xi32, #tpu.memory_space<hbm>>
    %dma_wait3A_91 = tpu.memref_squeeze %dma_wait3A_90 : memref<1x1x128xi32, #tpu.memory_space<hbm>> -> memref<1x128xi32, #tpu.memory_space<hbm>>
    tpu.wait_dma2 semaphore(%arg14 : memref<!tpu.dma_semaphore, #tpu.memory_space<semaphore_mem>>) src(%dma_wait3A_91 : memref<1x128xi32, #tpu.memory_space<hbm>>) dst(%arg7 : memref<1x128xi32, #tpu.memory_space<vmem>>)
    %run_scoped3A = arith.constant 0 : i32
    "tpu.region"() ({
      %run_scoped3A_113 = tpu.sem_alloc : memref<!tpu.dma_semaphore, #tpu.memory_space<semaphore_mem>>
      %dma_start3A_114 = arith.constant 0 : i32
      %dma_start3A_115 = tpu.memref_slice %arg7[%run_scoped3A, %dma_start3A_114] : memref<1x128xi32, #tpu.memory_space<vmem>> -> memref<1x128xi32, #tpu.memory_space<vmem>>
      %dma_start3A_116 = tpu.memref_squeeze %dma_start3A_115 : memref<1x128xi32, #tpu.memory_space<vmem>> -> memref<128xi32, #tpu.memory_space<vmem>>
      %dma_start3A_117 = arith.constant 0 : i32
      %dma_start3A_118 = arith.constant 0 : i32
      %dma_start3A_119 = tpu.memref_slice %arg11[%dma_start3A_117, %dma_start3A_118] : memref<10112x128xf32, #tpu.memory_space<vmem_shared>> -> memref<10112x128xf32, #tpu.memory_space<vmem_shared>>
      tpu.enqueue_indirect_dma source(%arg9 : memref<128x128xf32, #tpu.memory_space<vmem>>) target(%dma_start3A_119 : memref<10112x128xf32, #tpu.memory_space<vmem_shared>>) offsets(%dma_start3A_116 : memref<128xi32, #tpu.memory_space<vmem>>) semaphore(%run_scoped3A_113 : memref<!tpu.dma_semaphore, #tpu.memory_space<semaphore_mem>>) {add = true}
      %dma_wait3A_120 = arith.constant 0 : i32
      %dma_wait3A_121 = tpu.memref_slice %arg7[%run_scoped3A, %dma_wait3A_120] : memref<1x128xi32, #tpu.memory_space<vmem>> -> memref<1x128xi32, #tpu.memory_space<vmem>>
      %dma_wait3A_122 = tpu.memref_squeeze %dma_wait3A_121 : memref<1x128xi32, #tpu.memory_space<vmem>> -> memref<128xi32, #tpu.memory_space<vmem>>
      %dma_wait3A_123 = arith.constant 0 : i32
      %dma_wait3A_124 = arith.constant 0 : i32
      %dma_wait3A_125 = tpu.memref_slice %arg11[%dma_wait3A_123, %dma_wait3A_124] : memref<10112x128xf32, #tpu.memory_space<vmem_shared>> -> memref<10112x128xf32, #tpu.memory_space<vmem_shared>>
      tpu.wait_indirect_dma semaphore(%run_scoped3A_113 : memref<!tpu.dma_semaphore, #tpu.memory_space<semaphore_mem>>) src(%arg9 : memref<128x128xf32, #tpu.memory_space<vmem>>) dst(%dma_wait3A_125 : memref<10112x128xf32, #tpu.memory_space<vmem_shared>>)
      tpu.yield
    }) : () -> ()
    %dma_wait3A_92 = arith.constant 79 : i32
    %dma_wait3A_93 = arith.constant 0 : i32
    %dma_wait3A_94 = tpu.memref_slice %arg6[%dma_wait3A_92, %dma_wait3A_93] : memref<80x128xi32, #tpu.memory_space<vmem>> -> memref<1x128xi32, #tpu.memory_space<vmem>>
    %dma_wait3A_95 = tpu.memref_squeeze %dma_wait3A_94 : memref<1x128xi32, #tpu.memory_space<vmem>> -> memref<128xi32, #tpu.memory_space<vmem>>
    %dma_wait3A_96 = arith.constant 0 : i32
    %dma_wait3A_97 = arith.constant 0 : i32
    %dma_wait3A_98 = tpu.memref_slice %arg2[%dma_wait3A_96, %dma_wait3A_97] : memref<10112x128xf32, #tpu.memory_space<hbm>> -> memref<10112x128xf32, #tpu.memory_space<hbm>>
    tpu.wait_indirect_dma semaphore(%arg13 : memref<!tpu.dma_semaphore, #tpu.memory_space<semaphore_mem>>) src(%dma_wait3A_98 : memref<10112x128xf32, #tpu.memory_space<hbm>>) dst(%arg10 : memref<128x128xf32, #tpu.memory_space<vmem>>)
    %dma_wait3A_99 = arith.constant 79 : i32
    %dma_wait3A_100 = arith.constant 0 : i32
    %dma_wait3A_101 = tpu.memref_slice %arg4[%add3A, %dma_wait3A_99, %dma_wait3A_100] : memref<32x80x128xi32, #tpu.memory_space<hbm>> -> memref<1x1x128xi32, #tpu.memory_space<hbm>>
    %dma_wait3A_102 = tpu.memref_squeeze %dma_wait3A_101 : memref<1x1x128xi32, #tpu.memory_space<hbm>> -> memref<1x128xi32, #tpu.memory_space<hbm>>
    %dma_wait3A_103 = arith.constant 79 : i32
    %dma_wait3A_104 = arith.constant 0 : i32
    %dma_wait3A_105 = tpu.memref_slice %arg4[%add3A, %dma_wait3A_103, %dma_wait3A_104] : memref<32x80x128xi32, #tpu.memory_space<hbm>> -> memref<1x1x128xi32, #tpu.memory_space<hbm>>
    %dma_wait3A_106 = tpu.memref_squeeze %dma_wait3A_105 : memref<1x1x128xi32, #tpu.memory_space<hbm>> -> memref<1x128xi32, #tpu.memory_space<hbm>>
    tpu.wait_dma2 semaphore(%arg15 : memref<!tpu.dma_semaphore, #tpu.memory_space<semaphore_mem>>) src(%dma_wait3A_106 : memref<1x128xi32, #tpu.memory_space<hbm>>) dst(%arg8 : memref<1x128xi32, #tpu.memory_space<vmem>>)
    %run_scoped3A_107 = arith.constant 0 : i32
    "tpu.region"() ({
      %run_scoped3A_113 = tpu.sem_alloc : memref<!tpu.dma_semaphore, #tpu.memory_space<semaphore_mem>>
      %dma_start3A_114 = arith.constant 0 : i32
      %dma_start3A_115 = tpu.memref_slice %arg8[%run_scoped3A_107, %dma_start3A_114] : memref<1x128xi32, #tpu.memory_space<vmem>> -> memref<1x128xi32, #tpu.memory_space<vmem>>
      %dma_start3A_116 = tpu.memref_squeeze %dma_start3A_115 : memref<1x128xi32, #tpu.memory_space<vmem>> -> memref<128xi32, #tpu.memory_space<vmem>>
      %dma_start3A_117 = arith.constant 0 : i32
      %dma_start3A_118 = arith.constant 0 : i32
      %dma_start3A_119 = tpu.memref_slice %arg11[%dma_start3A_117, %dma_start3A_118] : memref<10112x128xf32, #tpu.memory_space<vmem_shared>> -> memref<10112x128xf32, #tpu.memory_space<vmem_shared>>
      tpu.enqueue_indirect_dma source(%arg10 : memref<128x128xf32, #tpu.memory_space<vmem>>) target(%dma_start3A_119 : memref<10112x128xf32, #tpu.memory_space<vmem_shared>>) offsets(%dma_start3A_116 : memref<128xi32, #tpu.memory_space<vmem>>) semaphore(%run_scoped3A_113 : memref<!tpu.dma_semaphore, #tpu.memory_space<semaphore_mem>>) {add = true}
      %dma_wait3A_120 = arith.constant 0 : i32
      %dma_wait3A_121 = tpu.memref_slice %arg8[%run_scoped3A_107, %dma_wait3A_120] : memref<1x128xi32, #tpu.memory_space<vmem>> -> memref<1x128xi32, #tpu.memory_space<vmem>>
      %dma_wait3A_122 = tpu.memref_squeeze %dma_wait3A_121 : memref<1x128xi32, #tpu.memory_space<vmem>> -> memref<128xi32, #tpu.memory_space<vmem>>
      %dma_wait3A_123 = arith.constant 0 : i32
      %dma_wait3A_124 = arith.constant 0 : i32
      %dma_wait3A_125 = tpu.memref_slice %arg11[%dma_wait3A_123, %dma_wait3A_124] : memref<10112x128xf32, #tpu.memory_space<vmem_shared>> -> memref<10112x128xf32, #tpu.memory_space<vmem_shared>>
      tpu.wait_indirect_dma semaphore(%run_scoped3A_113 : memref<!tpu.dma_semaphore, #tpu.memory_space<semaphore_mem>>) src(%arg10 : memref<128x128xf32, #tpu.memory_space<vmem>>) dst(%dma_wait3A_125 : memref<10112x128xf32, #tpu.memory_space<vmem_shared>>)
      tpu.yield
    }) : () -> ()
    %barrier3A_108 = arith.constant 0 : index
    tpu.barrier barrier_id(%barrier3A_108)
    %mul3A_109 = arith.constant 632 : i32
    %mul3A_110 = arith.muli %arg1, %mul3A_109 : i32
    %mul3A_111 = arith.constant 632 : i32
    %mul3A_112 = arith.muli %arg1, %mul3A_111 : i32
    "tpu.region"() ({
      %run_scoped3A_113 = tpu.sem_alloc : memref<!tpu.dma_semaphore, #tpu.memory_space<semaphore_mem>>
      %dma_start3A_114 = arith.constant 0 : i32
      %dma_start3A_115 = tpu.memref_slice %arg5[%arg0, %mul3A_112, %dma_start3A_114] : memref<2x10112x128xf32, #tpu.memory_space<hbm>> -> memref<1x632x128xf32, #tpu.memory_space<hbm>>
      %dma_start3A_116 = tpu.memref_squeeze %dma_start3A_115 : memref<1x632x128xf32, #tpu.memory_space<hbm>> -> memref<632x128xf32, #tpu.memory_space<hbm>>
      %dma_start3A_117 = arith.constant 0 : i32
      %dma_start3A_118 = tpu.memref_slice %arg11[%mul3A_110, %dma_start3A_117] : memref<10112x128xf32, #tpu.memory_space<vmem_shared>> -> memref<632x128xf32, #tpu.memory_space<vmem_shared>>
      tpu.enqueue_dma source(%dma_start3A_118 : memref<632x128xf32, #tpu.memory_space<vmem_shared>>) target(%dma_start3A_116 : memref<632x128xf32, #tpu.memory_space<hbm>>) target_semaphore(%run_scoped3A_113 : memref<!tpu.dma_semaphore, #tpu.memory_space<semaphore_mem>>)
      %dma_wait3A_119 = arith.constant 0 : i32
      %dma_wait3A_120 = tpu.memref_slice %arg5[%arg0, %mul3A_112, %dma_wait3A_119] : memref<2x10112x128xf32, #tpu.memory_space<hbm>> -> memref<1x632x128xf32, #tpu.memory_space<hbm>>
      %dma_wait3A_121 = tpu.memref_squeeze %dma_wait3A_120 : memref<1x632x128xf32, #tpu.memory_space<hbm>> -> memref<632x128xf32, #tpu.memory_space<hbm>>
      %dma_wait3A_122 = arith.constant 0 : i32
      %dma_wait3A_123 = tpu.memref_slice %arg11[%mul3A_110, %dma_wait3A_122] : memref<10112x128xf32, #tpu.memory_space<vmem_shared>> -> memref<632x128xf32, #tpu.memory_space<vmem_shared>>
      tpu.wait_dma2 semaphore(%run_scoped3A_113 : memref<!tpu.dma_semaphore, #tpu.memory_space<semaphore_mem>>) src(%dma_wait3A_123 : memref<632x128xf32, #tpu.memory_space<vmem_shared>>) dst(%dma_wait3A_121 : memref<632x128xf32, #tpu.memory_space<hbm>>)
      tpu.yield
    }) : () -> ()
    return
  }
}

module attributes {stable_mosaic.version = 14 : i64} {
  func.func @_mlp_body(%arg0: i32, %arg1: memref<1000x128xf32, #tpu.memory_space<vmem>>, %arg2: memref<1000x128xf32, #tpu.memory_space<vmem>>, %arg3: memref<1000x128xf32, #tpu.memory_space<vmem>>, %arg4: memref<128x128xf32, #tpu.memory_space<vmem>>, %arg5: memref<1x128xf32, #tpu.memory_space<vmem>>, %arg6: memref<128x128xf32, #tpu.memory_space<vmem>>, %arg7: memref<1x128xf32, #tpu.memory_space<vmem>>, %arg8: memref<1000x128xf32, #tpu.memory_space<vmem>>) attributes {dimension_semantics = [#tpu.dimension_semantics<arbitrary>], iteration_bounds = array<i64: 10>, scalar_prefetch = 0 : i64, scratch_operands = 0 : i64, tpu.core_type = #tpu.core_type<tc>, window_params = [{transform_indices = @transform_0, window_bounds = array<i64: 1000, 128>}, {transform_indices = @transform_1, window_bounds = array<i64: 1000, 128>}, {transform_indices = @transform_2, window_bounds = array<i64: 1000, 128>}, {pipeline_mode = #tpu.pipeline_mode<synchronous>, transform_indices = @transform_3, window_bounds = array<i64: 128, 128>}, {pipeline_mode = #tpu.pipeline_mode<synchronous>, transform_indices = @transform_4, window_bounds = array<i64: 1, 128>}, {pipeline_mode = #tpu.pipeline_mode<synchronous>, transform_indices = @transform_5, window_bounds = array<i64: 128, 128>}, {pipeline_mode = #tpu.pipeline_mode<synchronous>, transform_indices = @transform_6, window_bounds = array<i64: 1, 128>}, {transform_indices = @transform_7, window_bounds = array<i64: 1000, 128>}]} {
    %get3A = arith.constant 0 : index
    %get3A_0 = arith.constant 0 : index
    %get3A_1 = vector.load %arg1[%get3A, %get3A_0] : memref<1000x128xf32, #tpu.memory_space<vmem>>, vector<1000x128xf32>
    %get3A_2 = arith.constant 0 : index
    %get3A_3 = arith.constant 0 : index
    %get3A_4 = vector.load %arg2[%get3A_2, %get3A_3] : memref<1000x128xf32, #tpu.memory_space<vmem>>, vector<1000x128xf32>
    %add3A = arith.addf %get3A_1, %get3A_4 : vector<1000x128xf32>
    %get3A_5 = arith.constant 0 : index
    %get3A_6 = arith.constant 0 : index
    %get3A_7 = vector.load %arg3[%get3A_5, %get3A_6] : memref<1000x128xf32, #tpu.memory_space<vmem>>, vector<1000x128xf32>
    %add3A_8 = arith.addf %add3A, %get3A_7 : vector<1000x128xf32>
    %get3A_9 = arith.constant 0 : index
    %get3A_10 = arith.constant 0 : index
    %get3A_11 = vector.load %arg4[%get3A_9, %get3A_10] : memref<128x128xf32, #tpu.memory_space<vmem>>, vector<128x128xf32>
    %dot_general3A = arith.constant dense<0.000000e+00> : vector<1000x128xf32>
    %dot_general3A_12 = tpu.matmul %add3A_8, %get3A_11, %dot_general3A {dimension_numbers = #tpu.dot_dimension_numbers<[1], [0], [0], [1], [0, 0, 1, 1], [], []>, transpose_lhs_hint = false} : vector<1000x128xf32>, vector<128x128xf32>, vector<1000x128xf32> -> vector<1000x128xf32>
    %get3A_13 = arith.constant 0 : index
    %get3A_14 = arith.constant 0 : index
    %get3A_15 = vector.load %arg5[%get3A_13, %get3A_14] : memref<1x128xf32, #tpu.memory_space<vmem>>, vector<1x128xf32>
    %add3A_16 = vector.broadcast %get3A_15 : vector<1x128xf32> to vector<1000x128xf32>
    %add3A_17 = arith.addf %dot_general3A_12, %add3A_16 : vector<1000x128xf32>
    %max3A = arith.constant 0.000000e+00 : f32
    %max3A_18 = vector.broadcast %max3A : f32 to vector<1000x128xf32>
    %max3A_19 = arith.maximumf %add3A_17, %max3A_18 : vector<1000x128xf32>
    %get3A_20 = arith.constant 0 : index
    %get3A_21 = arith.constant 0 : index
    %get3A_22 = vector.load %arg6[%get3A_20, %get3A_21] : memref<128x128xf32, #tpu.memory_space<vmem>>, vector<128x128xf32>
    %dot_general3A_23 = arith.constant dense<0.000000e+00> : vector<1000x128xf32>
    %dot_general3A_24 = tpu.matmul %max3A_19, %get3A_22, %dot_general3A_23 {dimension_numbers = #tpu.dot_dimension_numbers<[1], [0], [0], [1], [0, 0, 1, 1], [], []>, transpose_lhs_hint = false} : vector<1000x128xf32>, vector<128x128xf32>, vector<1000x128xf32> -> vector<1000x128xf32>
    %get3A_25 = arith.constant 0 : index
    %get3A_26 = arith.constant 0 : index
    %get3A_27 = vector.load %arg7[%get3A_25, %get3A_26] : memref<1x128xf32, #tpu.memory_space<vmem>>, vector<1x128xf32>
    %add3A_28 = vector.broadcast %get3A_27 : vector<1x128xf32> to vector<1000x128xf32>
    %add3A_29 = arith.addf %dot_general3A_24, %add3A_28 : vector<1000x128xf32>
    %max3A_30 = arith.constant 0.000000e+00 : f32
    %max3A_31 = vector.broadcast %max3A_30 : f32 to vector<1000x128xf32>
    %max3A_32 = arith.maximumf %add3A_29, %max3A_31 : vector<1000x128xf32>
    %swap3A = arith.constant 0 : index
    %swap3A_33 = arith.constant 0 : index
    %swap3A_34 = vector.load %arg8[%swap3A, %swap3A_33] : memref<1000x128xf32, #tpu.memory_space<vmem>>, vector<1000x128xf32>
    tpu.vector_store %arg8[%swap3A, %swap3A_33], %max3A_32 {strides = array<i32>} : memref<1000x128xf32, #tpu.memory_space<vmem>>, vector<1000x128xf32>,
    return
  }
  func.func @transform_0(%arg0: i32) -> (i32, i32) {
    %c0_i32 = arith.constant 0 : i32
    %c0_i32_0 = arith.constant 0 : i32
    return %arg0, %c0_i32 : i32, i32
  }
  func.func @transform_1(%arg0: i32) -> (i32, i32) {
    %c0_i32 = arith.constant 0 : i32
    %c0_i32_0 = arith.constant 0 : i32
    return %arg0, %c0_i32 : i32, i32
  }
  func.func @transform_2(%arg0: i32) -> (i32, i32) {
    %c0_i32 = arith.constant 0 : i32
    %c0_i32_0 = arith.constant 0 : i32
    return %arg0, %c0_i32 : i32, i32
  }
  func.func @transform_3(%arg0: i32) -> (i32, i32) {
    %c0_i32 = arith.constant 0 : i32
    %c0_i32_0 = arith.constant 0 : i32
    %c0_i32_1 = arith.constant 0 : i32
    return %c0_i32, %c0_i32_0 : i32, i32
  }
  func.func @transform_4(%arg0: i32) -> (i32, i32) {
    %c0_i32 = arith.constant 0 : i32
    %c0_i32_0 = arith.constant 0 : i32
    %c0_i32_1 = arith.constant 0 : i32
    return %c0_i32, %c0_i32_0 : i32, i32
  }
  func.func @transform_5(%arg0: i32) -> (i32, i32) {
    %c0_i32 = arith.constant 0 : i32
    %c0_i32_0 = arith.constant 0 : i32
    %c0_i32_1 = arith.constant 0 : i32
    return %c0_i32, %c0_i32_0 : i32, i32
  }
  func.func @transform_6(%arg0: i32) -> (i32, i32) {
    %c0_i32 = arith.constant 0 : i32
    %c0_i32_0 = arith.constant 0 : i32
    %c0_i32_1 = arith.constant 0 : i32
    return %c0_i32, %c0_i32_0 : i32, i32
  }
  func.func @transform_7(%arg0: i32) -> (i32, i32) {
    %c0_i32 = arith.constant 0 : i32
    %c0_i32_0 = arith.constant 0 : i32
    return %arg0, %c0_i32 : i32, i32
  }
}

module attributes {stable_mosaic.version = 14 : i64} {
  func.func @_mlp_body(%arg0: i32, %arg1: memref<1000x128xf32, #tpu.memory_space<vmem>>, %arg2: memref<1000x128xf32, #tpu.memory_space<vmem>>, %arg3: memref<1000x128xf32, #tpu.memory_space<vmem>>, %arg4: memref<128x128xf32, #tpu.memory_space<vmem>>, %arg5: memref<1x128xf32, #tpu.memory_space<vmem>>, %arg6: memref<128x128xf32, #tpu.memory_space<vmem>>, %arg7: memref<1x128xf32, #tpu.memory_space<vmem>>, %arg8: memref<1000x128xf32, #tpu.memory_space<vmem>>) attributes {dimension_semantics = [#tpu.dimension_semantics<arbitrary>], iteration_bounds = array<i64: 10>, scalar_prefetch = 0 : i64, scratch_operands = 0 : i64, tpu.core_type = #tpu.core_type<tc>, window_params = [{transform_indices = @transform_0, window_bounds = array<i64: 1000, 128>}, {transform_indices = @transform_1, window_bounds = array<i64: 1000, 128>}, {transform_indices = @transform_2, window_bounds = array<i64: 1000, 128>}, {pipeline_mode = #tpu.pipeline_mode<synchronous>, transform_indices = @transform_3, window_bounds = array<i64: 128, 128>}, {pipeline_mode = #tpu.pipeline_mode<synchronous>, transform_indices = @transform_4, window_bounds = array<i64: 1, 128>}, {pipeline_mode = #tpu.pipeline_mode<synchronous>, transform_indices = @transform_5, window_bounds = array<i64: 128, 128>}, {pipeline_mode = #tpu.pipeline_mode<synchronous>, transform_indices = @transform_6, window_bounds = array<i64: 1, 128>}, {transform_indices = @transform_7, window_bounds = array<i64: 1000, 128>}]} {
    %get3A = arith.constant 0 : index
    %get3A_0 = arith.constant 0 : index
    %get3A_1 = vector.load %arg1[%get3A, %get3A_0] : memref<1000x128xf32, #tpu.memory_space<vmem>>, vector<1000x128xf32>
    %get3A_2 = arith.constant 0 : index
    %get3A_3 = arith.constant 0 : index
    %get3A_4 = vector.load %arg2[%get3A_2, %get3A_3] : memref<1000x128xf32, #tpu.memory_space<vmem>>, vector<1000x128xf32>
    %add3A = arith.addf %get3A_1, %get3A_4 : vector<1000x128xf32>
    %get3A_5 = arith.constant 0 : index
    %get3A_6 = arith.constant 0 : index
    %get3A_7 = vector.load %arg3[%get3A_5, %get3A_6] : memref<1000x128xf32, #tpu.memory_space<vmem>>, vector<1000x128xf32>
    %add3A_8 = arith.addf %add3A, %get3A_7 : vector<1000x128xf32>
    %get3A_9 = arith.constant 0 : index
    %get3A_10 = arith.constant 0 : index
    %get3A_11 = vector.load %arg4[%get3A_9, %get3A_10] : memref<128x128xf32, #tpu.memory_space<vmem>>, vector<128x128xf32>
    %dot_general3A = arith.constant dense<0.000000e+00> : vector<1000x128xf32>
    %dot_general3A_12 = tpu.matmul %add3A_8, %get3A_11, %dot_general3A {dimension_numbers = #tpu.dot_dimension_numbers<[1], [0], [0], [1], [0, 0, 1, 1], [], []>, transpose_lhs_hint = false} : vector<1000x128xf32>, vector<128x128xf32>, vector<1000x128xf32> -> vector<1000x128xf32>
    %get3A_13 = arith.constant 0 : index
    %get3A_14 = arith.constant 0 : index
    %get3A_15 = vector.load %arg5[%get3A_13, %get3A_14] : memref<1x128xf32, #tpu.memory_space<vmem>>, vector<1x128xf32>
    %add3A_16 = vector.broadcast %get3A_15 : vector<1x128xf32> to vector<1000x128xf32>
    %add3A_17 = arith.addf %dot_general3A_12, %add3A_16 : vector<1000x128xf32>
    %max3A = arith.constant 0.000000e+00 : f32
    %max3A_18 = vector.broadcast %max3A : f32 to vector<1000x128xf32>
    %max3A_19 = arith.maximumf %add3A_17, %max3A_18 : vector<1000x128xf32>
    %get3A_20 = arith.constant 0 : index
    %get3A_21 = arith.constant 0 : index
    %get3A_22 = vector.load %arg6[%get3A_20, %get3A_21] : memref<128x128xf32, #tpu.memory_space<vmem>>, vector<128x128xf32>
    %dot_general3A_23 = arith.constant dense<0.000000e+00> : vector<1000x128xf32>
    %dot_general3A_24 = tpu.matmul %max3A_19, %get3A_22, %dot_general3A_23 {dimension_numbers = #tpu.dot_dimension_numbers<[1], [0], [0], [1], [0, 0, 1, 1], [], []>, transpose_lhs_hint = false} : vector<1000x128xf32>, vector<128x128xf32>, vector<1000x128xf32> -> vector<1000x128xf32>
    %get3A_25 = arith.constant 0 : index
    %get3A_26 = arith.constant 0 : index
    %get3A_27 = vector.load %arg7[%get3A_25, %get3A_26] : memref<1x128xf32, #tpu.memory_space<vmem>>, vector<1x128xf32>
    %add3A_28 = vector.broadcast %get3A_27 : vector<1x128xf32> to vector<1000x128xf32>
    %add3A_29 = arith.addf %dot_general3A_24, %add3A_28 : vector<1000x128xf32>
    %swap3A = arith.constant 0 : index
    %swap3A_30 = arith.constant 0 : index
    %swap3A_31 = vector.load %arg8[%swap3A, %swap3A_30] : memref<1000x128xf32, #tpu.memory_space<vmem>>, vector<1000x128xf32>
    tpu.vector_store %arg8[%swap3A, %swap3A_30], %add3A_29 {strides = array<i32>} : memref<1000x128xf32, #tpu.memory_space<vmem>>, vector<1000x128xf32>,
    return
  }
  func.func @transform_0(%arg0: i32) -> (i32, i32) {
    %c0_i32 = arith.constant 0 : i32
    %c0_i32_0 = arith.constant 0 : i32
    return %arg0, %c0_i32 : i32, i32
  }
  func.func @transform_1(%arg0: i32) -> (i32, i32) {
    %c0_i32 = arith.constant 0 : i32
    %c0_i32_0 = arith.constant 0 : i32
    return %arg0, %c0_i32 : i32, i32
  }
  func.func @transform_2(%arg0: i32) -> (i32, i32) {
    %c0_i32 = arith.constant 0 : i32
    %c0_i32_0 = arith.constant 0 : i32
    return %arg0, %c0_i32 : i32, i32
  }
  func.func @transform_3(%arg0: i32) -> (i32, i32) {
    %c0_i32 = arith.constant 0 : i32
    %c0_i32_0 = arith.constant 0 : i32
    %c0_i32_1 = arith.constant 0 : i32
    return %c0_i32, %c0_i32_0 : i32, i32
  }
  func.func @transform_4(%arg0: i32) -> (i32, i32) {
    %c0_i32 = arith.constant 0 : i32
    %c0_i32_0 = arith.constant 0 : i32
    %c0_i32_1 = arith.constant 0 : i32
    return %c0_i32, %c0_i32_0 : i32, i32
  }
  func.func @transform_5(%arg0: i32) -> (i32, i32) {
    %c0_i32 = arith.constant 0 : i32
    %c0_i32_0 = arith.constant 0 : i32
    %c0_i32_1 = arith.constant 0 : i32
    return %c0_i32, %c0_i32_0 : i32, i32
  }
  func.func @transform_6(%arg0: i32) -> (i32, i32) {
    %c0_i32 = arith.constant 0 : i32
    %c0_i32_0 = arith.constant 0 : i32
    %c0_i32_1 = arith.constant 0 : i32
    return %c0_i32, %c0_i32_0 : i32, i32
  }
  func.func @transform_7(%arg0: i32) -> (i32, i32) {
    %c0_i32 = arith.constant 0 : i32
    %c0_i32_0 = arith.constant 0 : i32
    return %arg0, %c0_i32 : i32, i32
  }
}

</mosaic_0001>

<sc_bundles>
// kernel: kernel.6.cloned.1.call-start
scs
__scs_entry_jumppad:
0x0: {  	(pc) =	sbr.rel $0x88, $3  }
0x1: {  	(tag) =	ssettag $0x0;
	lr =	simm.s32 $0x1  }
0x2: {  	[smem:$0x3F97] =	sst lr;
	_ =	strace $0xD0000000  }
0x3: {  	_ = 	snop  }
0x4: {  	_ = 	snop  }
0x5: {  	_ = 	snop  }
0x6: {  	_ = 	snop  }
0x7: {  	_ = 	snop  }
__scs_overlays_trampoline_lowered:
0x8: {  	[smem:$0x3FA6] =	sst s0  }
0x9: {  	[smem:$0x3FA7] =	sst s1  }
0xa: {  	[smem:$0x3FA8] =	sst s2  }
0xb: {  	[smem:$0x3FA9] =	sst s3  }
0xc: {  	[smem:$0x3FAA] =	sst s4  }
0xd: {  	[smem:$0x3FAB] =	sst s5  }
0xe: {  	[smem:$0x3FAC] =	sst s6  }
0xf: {  	[smem:$0x3FAD] =	sst s7  }
0x10: {  	[smem:$0x3FAE] =	sst s8  }
0x11: {  	[smem:$0x3FAF] =	sst s9;
	s0 =	simm.s32 @!p0 $0x0  }
0x12: {  	s1 =	sld [smem:$0x3F95];
	s0 =	simm.s32 @p0 $0x1  }
0x13: {  	[smem:$0x3FB0] =	sst s0;
	s0 =	simm.s32 @!p1 $0x0  }
0x14: {  	s2 =	sld [smem:$0x3F94];
	s0 =	simm.s32 @p1 $0x1  }
0x15: {  	[smem:$0x3FB1] =	sst s0;
	s0 =	simm.s32 @!p2 $0x0  }
0x16: {  	s3 =	sld [smem:$0x3FDB];
	s0 =	simm.s32 @p2 $0x1  }
0x17: {  	s4 =	simm.s32 $0x1BF5;
	[smem:$0x3FB3] =	sst s0  }
0x18: {  	s0 =	sld [smem:$0x3F96];
	_ =	swait.ge [sflag:s4], $0x0  }
0x19: {  	s7 =	sld [smem:$0x3F97]  }
0x1a: {  	s8 =	sadd.s32 $0xFFFFE003, lr  }
0x1b: {  	s9 =	sadd.s32 $0xFFFFFEF7, lr;
	s5 =	simm.s32 $0xFFFFFFFF;
	p2 =	slt.u32 s8, $0xFFFFF086  }
0x1c: {  	p1 =	slt.u32 s9, $0xF7A;
	s5 =	simm.s32 @!p2 $0x0  }
0x1d: {  	s5 =	simm.s32 @p1 $0x1;
	p0 =	seq.s32 s7, s2  }
0x1e: {  	s7 =	smul.u32 @!p0 $0xF7A, s2;
	p2 =	seq.s32 @!p0 s5, $0x0  }
0x1f: {  	s9 =	smul.u32 $0xF7A, s1;
	s8 =	simm.s32 @!p0 $0x1BF5;
	p2 =	por !p2, p0  }
0x20: {  	[sflag:s8] =	ssyncset.s32 @!p0 $0xFFFFF086;
	s6 =	sadd.s32 @!p0 s3, s7;
	s7 =	simm.s32 @!p0 $0x108  }
0x21: {  	s3 =	sadd.s32 s3, s9;
	s6 =	sadd.s32 @!p0 $0x88, s6;
	s7 =	simm.s32 @p2 $0x1082  }
0x22: {  	[simem:s7], [sflag:s8] =	dma.local @!p0 [hbm:s6], $0xF7A  }
0x23: {  	s9 =	sor.u32 $0xD0000000, s2;
	s6 =	simm.s32 $0x108;
	_ =	swait.ge @!p0 [sflag:s8], $0x0  }
0x24: {  	s3 =	sadd.s32 $0x88, s3;
	s6 =	simm.s32 @!p1 $0x1082;
	[sflag:s4] =	ssyncset.s32 $0xFFFFF086  }
0x25: {  	[simem:s6], [sflag:s4] =	dma.local [hbm:s3], $0xF7A  }
0x26: {  	[smem:$0x3F97] =	sst s1;
	(tag) =	ssettag s2;
	_ =	strace s9  }
0x27: {  	s1 =	sld [smem:$0x3FA7]  }
0x28: {  	s2 =	sld [smem:$0x3FA8]  }
0x29: {  	s4 =	sld [smem:$0x3FAA]  }
0x2a: {  	p0 =	seq.s32 s5, $0x0;
	s5 =	sld [smem:$0x3FAB]  }
0x2b: {  	s6 =	sld [smem:$0x3FAC]  }
0x2c: {  	s7 =	sld [smem:$0x3FAD]  }
0x2d: {  	s3 =	simm.s32 $0x108;
	s8 =	sld [smem:$0x3FAE]  }
0x2e: {  	s3 =	simm.s32 @!p0 $0x1082;
	s9 =	sld [smem:$0x3FAF]  }
0x2f: {  	lr =	sadd.s32 s0, s3;
	s0 =	sld [smem:$0x3FA6]  }
0x30: {  	s3 =	sld [smem:$0x3FA9]  }
0x31: {  	[smem:$0x3FB2] =	sst s10  }
0x32: {  	s10 =	sld [smem:$0x3FB0];
	_ =	sdelay $0x3  }
0x33: {  	p0 =	seq.s32 s10, $0x1;
	s10 =	sld [smem:$0x3FB2];
	_ =	sdelay $0x3  }
0x34: {  	[smem:$0x3FB2] =	sst s10  }
0x35: {  	s10 =	sld [smem:$0x3FB1];
	_ =	sdelay $0x3  }
0x36: {  	p1 =	seq.s32 s10, $0x1;
	s10 =	sld [smem:$0x3FB2];
	_ =	sdelay $0x3  }
0x37: {  	[smem:$0x3FB2] =	sst s10  }
0x38: {  	s10 =	sld [smem:$0x3FB3]  }
0x39: {  	_ = 	snop;
	(pc) =	sbr.ind lr, $3  }
0x3a: {  	_ = 	snop  }
0x3b: {  	_ = 	snop  }
0x3c: {  	p2 =	seq.s32 s10, $0x1;
	s10 =	sld [smem:$0x3FB2]  }
0x3d: {  	_ =	shalt  }
0x3e: {  	_ =	shalt  }
0x3f: {  	_ =	shalt  }
0x40: {  	_ =	shalt  }
0x41: {  	_ =	shalt  }
0x42: {  	_ =	shalt  }
0x43: {  	_ =	shalt  }
0x44: {  	_ =	shalt  }
0x45: {  	_ =	shalt  }
0x46: {  	_ =	shalt  }
0x47: {  	_ =	shalt  }
0x48: {  	_ =	shalt  }
0x49: {  	_ =	shalt  }
0x4a: {  	_ =	shalt  }
0x4b: {  	_ =	shalt  }
0x4c: {  	_ =	shalt  }
0x4d: {  	_ =	shalt  }
0x4e: {  	_ =	shalt  }
0x4f: {  	_ =	shalt  }
0x50: {  	_ =	shalt  }
0x51: {  	_ =	shalt  }
0x52: {  	_ =	shalt  }
0x53: {  	_ =	shalt  }
0x54: {  	_ =	shalt  }
0x55: {  	_ =	shalt  }
0x56: {  	_ =	shalt  }
0x57: {  	_ =	shalt  }
0x58: {  	_ =	shalt  }
0x59: {  	_ =	shalt  }
0x5a: {  	_ =	shalt  }
0x5b: {  	_ =	shalt  }
0x5c: {  	_ =	shalt  }
0x5d: {  	_ =	shalt  }
0x5e: {  	_ =	shalt  }
0x5f: {  	_ =	shalt  }
0x60: {  	_ =	shalt  }
0x61: {  	_ =	shalt  }
0x62: {  	_ =	shalt  }
0x63: {  	_ =	shalt  }
0x64: {  	_ =	shalt  }
0x65: {  	_ =	shalt  }
0x66: {  	_ =	shalt  }
0x67: {  	_ =	shalt  }
0x68: {  	_ =	shalt  }
0x69: {  	_ =	shalt  }
0x6a: {  	_ =	shalt  }
0x6b: {  	_ =	shalt  }
0x6c: {  	_ =	shalt  }
0x6d: {  	_ =	shalt  }
0x6e: {  	_ =	shalt  }
0x6f: {  	_ =	shalt  }
0x70: {  	_ =	shalt  }
0x71: {  	_ =	shalt  }
0x72: {  	_ =	shalt  }
0x73: {  	_ =	shalt  }
0x74: {  	_ =	shalt  }
0x75: {  	_ =	shalt  }
0x76: {  	_ =	shalt  }
0x77: {  	_ =	shalt  }
0x78: {  	_ =	shalt  }
0x79: {  	_ =	shalt  }
0x7a: {  	_ =	shalt  }
0x7b: {  	_ =	shalt  }
0x7c: {  	_ =	shalt  }
0x7d: {  	_ =	shalt  }
0x7e: {  	_ =	shalt  }
0x7f: {  	_ =	shalt  }
0x80: {  	_ =	shalt  }
0x81: {  	_ =	shalt  }
0x82: {  	_ =	shalt  }
0x83: {  	_ =	shalt  }
0x84: {  	_ =	shalt  }
0x85: {  	_ =	shalt  }
0x86: {  	_ =	shalt  }
0x87: {  	_ =	shalt  }
.Lfunc_end0:
.L_simem_size_0:
called_computation_lowered:
.L_overlay_start_0:
0x88: {  	s2 =	sld [smem:$0x3FD9]  }
0x89: {  	s3 =	sld [smem:$0x3FFE];
	_ =	sdelay $0x1  }
0x8a: {  	s1 =	srdreg.scid  }
0x8b: {  	s0 =	sand.u32 $0x1, s1  }
0x8c: {  	s17 =	sshll.u32 s0, $0xA;
	s2 =	sadd.s32 s3, s2  }
0x8d: {  	s2 =	sadd.s32 s2, s17  }
0x8e: {  	[smem:$0x3FBE] =	sst s2  }
0x8f: {  	_ = 	snop  }
0x90: {  	s2 =	sld [smem:$0x3FD0];
	(tm) =	ssettm $0x1  }
0x91: {  	s18 =	sld [smem:$0x3FFB];
	_ =	sdelay $0x3  }
0x92: {  	_ =	strace s18  }
0x93: {  	s3 =	sld [smem:$0x3FFC];
	_ =	sdelay $0x3  }
0x94: {  	_ =	strace s3  }
0x95: {  	s3 =	sld [smem:$0x3FFD];
	_ =	sdelay $0x3  }
0x96: {  	_ =	strace s3  }
0x97: {  	_ =	strace $0x8FFFFFFF  }
0x98: {  	s19 =	sld [smem:$0x3FDB];
	_ =	sdelay $0x1  }
0x99: {  	s4 =	simm.s32 $_scs_section_size  }
0x9a: {  	s5 =	simm.s32 $_size__tile_overlayer_lowered;
	s6 =	simm.s32 $_tile_overlayer_lowered  }
0x9b: {  	s22 =	simm.s32 $0x1BFF;
	s21 =	sshll.u32 s6, $0x1;
	s3 =	sadd.s32 s4, s19  }
0x9c: {  	s7 =	simm.s32 $0x0;
	s20 =	sshll.u32 s5, $0x1;
	s5 =	sadd.s32 s21, s3  }
0x9d: {  	[timem:s7], [sflag:s22] =	dma.local [hbm:s5], s20  }
0x9e: {  	_ =	swait.ge [sflag:s22], s20  }
0x9f: {  	s4 =	ssub.s32 $0x0, s20;
	[sflag:s22] =	ssyncset.done $0x0  }
0xa0: {  	[sflag:s22] =	ssyncadd.s32 s4;
	_ =	sdelay $0x1  }
0xa1: {  	s23 =	simm.s32 $0x1B8B  }
0xa2: {  	_ =	swait.ge [sflag:s23], $0x1  }
0xa3: {  	[sflag:s23] =	ssyncset.done $0x0  }
0xa4: {  	s25 =	simm.s32 $0x1B8E;
	s24 =	sld [smem:$0x3FFE];
	[sflag:s23] =	ssyncadd.s32 $0xFFFFFFFF  }
0xa5: {  	s26 =	simm.s32 $execute0_lowered;
	[smem:$0x3FD2] =	sst s25  }
0xa6: {  	s5 =	sshll.u32 s26, $0x1;
	_ =	strace $0x80000046;
	[dreg:$0x1] =	wrdreg $0xFFFFFFFF  }
0xa7: {  	s28 =	simm.s32 $_size_execute0_lowered;
	s3 =	sadd.s32 s3, s5;
	[dreg:$0x0] =	wrdreg $0x0  }
0xa8: {  	s5 =	sshll.u32 s28, $0x1;
	[dreg:$0x2] =	wrdreg s3  }
0xa9: {  	[dreg:$0x3] =	wrdreg s5  }
0xaa: {  	[dreg:$0x4] =	wrdreg $0xC0  }
0xab: {  	_ =	task [dreg:s7], $0x5FFFF  }
0xac: {  	[dreg:$0x1] =	wrdreg $0xFFFFFFFF  }
0xad: {  	[dreg:$0x0] =	wrdreg $0x60  }
0xae: {  	[dreg:$0x2] =	wrdreg s24  }
0xaf: {  	[dreg:$0x3] =	wrdreg s2  }
0xb0: {  	[dreg:$0x4] =	wrdreg $0xA9000  }
0xb1: {  	[dreg:$0x5] =	wrdreg $0x9  }
0xb2: {  	_ =	task.clear_ibuf [dreg:s7], $0x6FFFF;
	_ =	strace $0x90000046  }
0xb3: {  	s29 =	simm.s32 $0x9;
	_ =	strace $0x80000048  }
0xb4: {  	_ =	swait.ge [sflag:s29], $0x1  }
0xb5: {  	[sflag:s29] =	ssyncadd.s32 $0xFFFFFFFF  }
0xb6: {  	_ =	strace $0x90000048  }
0xb7: {  	_ =	sfence  }
0xb8: {  	s30 =	sld [smem:$0x0];
	_ =	sdelay $0x2  }
0xb9: {  	s31 =	sshll.u32 s1, $0xD;
	s1 =	sshrl.u32 s1, $0x2  }
0xba: {  	s3 =	sand.u32 $0x4000, s31;
	s1 =	sadd.s32 s1, s30  }
0xbb: {  	s0 =	sor.u32 s3, s0;
	s1 =	sshll.u32 s1, $0x11  }
0xbc: {  	s0 =	sor.u32 s1, s0  }
0xbd: {  	s0 =	sadd.s32 $0x8F2B, s0  }
0xbe: {  	[sflag:s0] =	ssyncadd.remote.s32 $0x1  }
0xbf: {  	_ =	sfence.sel $0xFFFF  }
0xc0: {  	[dreg:$0x0] =	wrdreg $0xFFFFFFFF;
	(pc) =	sbr.abs _section_cstart, $3  }
0xc1: {  	[dreg:$0x1] =	wrdreg $0xFFFFFFFF  }
0xc2: {  	_ =	task.clear_ibuf [dreg:s7], $0x2FFFF;
	_ =	strace $0x9FFFFFFF  }
0xc3: {  	(tm) =	ssettm $0x7FFFFFFF  }
tec
execute0_lowered:
.L_overlay_start_1:
0x0: {  	(tag) =	ssettag $0x1  }
0x1: {  	s0 =	rddreg [dreg:$0x0]  }
0x2: {  	s8 =	rddreg [dreg:$0x1]  }
0x3: {  	s1 =	rddreg [dreg:$0x2];
	s3 =	simm.s32 $0x0  }
0x4: {  	s2 =	srdreg.scid;
	s22 =	stileid.u32;
	s17 =	simm.s32 $0x2900  }
0x5: {  	s18 =	simm.s32 $0x6;
	s19 =	simm.s32 $0x2800;
	s20 =	simm.s32 $0x2880  }
0x6: {  	s21 =	simm.s32 $0x5;
	s28 =	simm.s32 $0x4;
	s29 =	simm.s32 $0x0  }
0x7: {  	[smem:$0x7FF] =	sst s3;
	s6 =	sand.u32 $0x1, s2;
	s9 =	smul.u32 $0x13C00, s22  }
0x8: {  	s4 =	sadd.s32 $0xB600, s0;
	s5 =	sadd.s32 $0x1600, s0;
	s24 =	smul.u32 $0x4F000, s22  }
0x9: {  	s7 =	smul.u32 $0x13C000, s6;
	s10 =	sshll.u32 s6, $0x4;
	s11 =	ssub.s32 $0x2, s6  }
0xa: {  	_ =	strace $0x80000047;
	s23 =	sor.u32 s22, s10;
	s25 =	sshrl.u32 s11, $0x1  }
0xb: {  	s26 =	sshrl.u32 s24, $0x2;
	s22 =	simm.s32 $0x80;
	s24 =	simm.s32 $0x1  }
0xc: {  	s7 =	sadd.s32 s9, s7;
	s6 =	smul.u32 $0x2800, s23;
	s16 =	ssub.s32 s11, s25  }
0xd: {  	s23 =	simm.s32 $0x6900;
	s25 =	simm.s32 $0x3;
	s7 =	sshrl.u32 s7, $0x3  }
0xe: {  	s16 =	smax.u32 s16, $0x1;
	s0 =	sadd.s32 s7, s0;
	s13 =	sshrl.u32 s6, $0x3  }
0xf: {  	s7 =	sadd.s32 s26, s1;
	s26 =	simm.s32 $0x2;
	s30 =	sadd.s32 s8, s13  }
0x10: {  	s31 =	sadd.s32 $0x4000, s7;
	s10 =	sadd.s32 $0x8000, s7;
	s11 =	sadd.s32 $0xC000, s7  }
0x11: {  	s12 =	sadd.s32 $0x10000, s7;
	s13 =	sadd.s32 s5, s13;
	[dreg:$0x4] =	wrdreg s30  }
0x12: {  	v0 =	vimm.f32 $0.0e+00;
	s15 =	sadd.s32 $0x32E00, s0;
	[dreg:$0x5] =	wrdreg s31;
	s14 =	sadd.s32 $0x10, s13  }
.LBB2_1:
0x13: {  	s0 =	rddreg [dreg:$0x4];
	s9 =	sand.u32 $0xFE00, s3  }
0x14: {  	[tilespmem:s3], [sflag:$0x5] =	stream.linear.gather [hbm4b:s0+s3], $0x2800, $0x38;
	[tilespmem:$0x1E500] =	vst v63  }
0x15: {  	s30 =	sand.u32 $0x70, s3;
	s31 =	sshrl.u32 s9, $0x2  }
0x16: {  	s0 =	simm.s32 $0x40;
	s31 =	sor.u32 s30, s31;
	s30 =	simm.s32 $0x0  }
.LBB2_2:
0x17: {  	p0 =	sne.s32 s0, $0xFFC0  }
0x18: {  	[tilespmem:s31+$0x2900] =	vst v0;
	s30 =	sadd.s32 $0x10, s30;
	s31 =	smov.u32 s0;
	s0 =	sadd.s32 $0x40, s0  }
.Ltmp0:
0x19: {  	(pc) =	sbr.rel @p0 .LBB2_2-.Ltmp0, $4  }
0x1a: {  	_ = 	snop  }
0x1b: {  	s31 =	sand.u32 $0xFE00, s31  }
0x1c: {  	s2 =	sand.u32 $0x70, s30;
	s31 =	sshrl.u32 s31, $0x2  }
0x1d: {  	s31 =	sor.u32 s2, s31  }
0x1e: {  	[tilespmem:s31+$0x2900] =	vst v0  }
0x1f: {  	[spmem:s7] =	stream.linear.scatter [tilespmem:s17], [sflag:$0x6], $0x4000, $0x38;
	[tilespmem:$0x1E500] =	vst v63  }
0x20: {  	_ =	swait.ge [sflag:s18], $0x4000  }
0x21: {  	[sflag:s18] =	ssyncset.done $0x0  }
0x22: {  	s0 =	rddreg [dreg:$0x5];
	[sflag:s18] =	ssyncadd.s32 $0xFFFFC000  }
0x23: {  	[spmem:s0] =	stream.linear.scatter [tilespmem:s17], [sflag:$0x6], $0x4000, $0x38;
	[tilespmem:$0x1E500] =	vst v63  }
0x24: {  	_ =	swait.ge [sflag:s18], $0x4000  }
0x25: {  	[sflag:s18] =	ssyncset.done $0x0  }
0x26: {  	[sflag:s18] =	ssyncadd.s32 $0xFFFFC000  }
0x27: {  	[spmem:s10] =	stream.linear.scatter [tilespmem:s17], [sflag:$0x6], $0x4000, $0x38;
	[tilespmem:$0x1E500] =	vst v63  }
0x28: {  	_ =	swait.ge [sflag:s18], $0x4000  }
0x29: {  	[sflag:s18] =	ssyncset.done $0x0  }
0x2a: {  	[sflag:s18] =	ssyncadd.s32 $0xFFFFC000  }
0x2b: {  	[spmem:s11] =	stream.linear.scatter [tilespmem:s17], [sflag:$0x6], $0x4000, $0x38;
	[tilespmem:$0x1E500] =	vst v63  }
0x2c: {  	_ =	swait.ge [sflag:s18], $0x4000  }
0x2d: {  	[sflag:s18] =	ssyncset.done $0x0  }
0x2e: {  	[sflag:s18] =	ssyncadd.s32 $0xFFFFC000  }
0x2f: {  	[spmem:s12] =	stream.linear.scatter [tilespmem:s17], [sflag:$0x6], $0x3C00, $0x38;
	[tilespmem:$0x1E500] =	vst v63  }
0x30: {  	_ =	swait.ge [sflag:s18], $0x3C00  }
0x31: {  	[sflag:s18] =	ssyncset.done $0x0  }
0x32: {  	[sflag:s18] =	ssyncadd.s32 $0xFFFFC400  }
0x33: {  	[tilespmem:s19], [sflag:$0x3] =	stream.linear.gather [hbm4b:s13+s3], $0x80, $0x38;
	[tilespmem:$0x1E500] =	vst v63  }
0x34: {  	_ = 	snop  }
0x35: {  	[tilespmem:s20], [sflag:$0x4] =	stream.linear.gather [hbm4b:s14+s3], $0x80, $0x38;
	[tilespmem:$0x1E500] =	vst v63  }
0x36: {  	_ =	swait.ge [sflag:s21], $0x2800  }
0x37: {  	[sflag:s21] =	ssyncset.done $0x0  }
0x38: {  	[sflag:s21] =	ssyncadd.s32 $0xFFFFD800  }
0x39: {  	[tilespmem:s17], [sflag:$0x1] =	stream.indirect.gather [hbm4b:s4+s22], $0x80, s3, s22, $0xb8;
	[tilespmem:$0x1E500] =	vst v63  }
0x3a: {  	_ = 	snop  }
0x3b: {  	[tilespmem:s23], [sflag:$0x2] =	stream.indirect.gather [hbm4b:s4+s22], $0x80, s22, s22, $0xb8;
	[tilespmem:$0x1E500] =	vst v63  }
0x3c: {  	[bflag:$0x0] =	sbarrier.arrive $0xFFFF  }
0x3d: {  	_ =	swait.ge [sflag:s24], $0x4000  }
0x3e: {  	[sflag:s24] =	ssyncset.done $0x0  }
0x3f: {  	[sflag:s24] =	ssyncadd.s32 $0xFFFFC000  }
0x40: {  	s9 =	simm.s32 $0x100;
	_ =	swait.ge [sflag:s25], $0x80  }
0x41: {  	s2 =	sand.u32 $0x7C00, s9;
	[sflag:s25] =	ssyncset.done $0x0  }
0x42: {  	s2 =	sadd.s32 s6, s2;
	s0 =	sand.u32 $0x300, s9;
	[sflag:s25] =	ssyncadd.s32 $0xFFFFFF80  }
0x43: {  	[spmem:s1] =	stream.indirect.scatter.add.f32 [tilespmem:s17], [sflag:$0x6], $0x80, s19, s22, $0xb8;
	[tilespmem:$0x1E500] =	vst v63  }
0x44: {  	s0 =	sor.u32 s0, s2;
	_ =	swait.ge [sflag:s18], $0x4000  }
0x45: {  	s0 =	sshrl.u32 s0, $0x3;
	[sflag:s18] =	ssyncset.done $0x0  }
0x46: {  	s0 =	sadd.s32 s5, s0;
	[sflag:s18] =	ssyncadd.s32 $0xFFFFC000  }
0x47: {  	[tilespmem:s19], [sflag:$0x3] =	stream.linear.gather [hbm4b:s0+s3], $0x80, $0x38;
	[tilespmem:$0x1E500] =	vst v63  }
0x48: {  	s2 =	simm.s32 $0x100  }
0x49: {  	[tilespmem:s17], [sflag:$0x1] =	stream.indirect.gather [hbm4b:s4+s22], $0x80, s2, s22, $0xb8;
	[tilespmem:$0x1E500] =	vst v63  }
0x4a: {  	_ =	swait.ge [sflag:s26], $0x4000  }
0x4b: {  	[sflag:s26] =	ssyncset.done $0x0  }
0x4c: {  	[sflag:s26] =	ssyncadd.s32 $0xFFFFC000  }
0x4d: {  	s8 =	simm.s32 $0x180;
	_ =	swait.ge [sflag:s28], $0x80  }
0x4e: {  	s9 =	sand.u32 $0x7C00, s8;
	[sflag:s28] =	ssyncset.done $0x0  }
0x4f: {  	s0 =	sand.u32 $0x380, s8;
	s2 =	sadd.s32 s6, s9;
	[sflag:s28] =	ssyncadd.s32 $0xFFFFFF80  }
0x50: {  	[spmem:s1] =	stream.indirect.scatter.add.f32 [tilespmem:s23], [sflag:$0x6], $0x80, s20, s22, $0xb8;
	[tilespmem:$0x1E500] =	vst v63  }
0x51: {  	s0 =	sor.u32 s0, s2;
	_ =	swait.ge [sflag:s18], $0x4000  }
0x52: {  	s0 =	sshrl.u32 s0, $0x3;
	[sflag:s18] =	ssyncset.done $0x0  }
0x53: {  	s0 =	sadd.s32 s5, s0;
	[sflag:s18] =	ssyncadd.s32 $0xFFFFC000  }
0x54: {  	[tilespmem:s20], [sflag:$0x4] =	stream.linear.gather [hbm4b:s0+s3], $0x80, $0x38;
	[tilespmem:$0x1E500] =	vst v63  }
0x55: {  	s31 =	simm.s32 $0x180;
	s30 =	simm.s32 $0x280;
	s0 =	simm.s32 $0x200  }
.LBB2_4:
0x56: {  	s2 =	sadd.s32 $0x80, s0  }
0x57: {  	p0 =	sne.s32 s30, $0x2780;
	s8 =	smov.u32 s30;
	s30 =	sadd.s32 $0x100, s30  }
0x58: {  	[tilespmem:s23], [sflag:$0x2] =	stream.indirect.gather [hbm4b:s4+s22], $0x80, s31, s22, $0xb8;
	[tilespmem:$0x1E500] =	vst v63  }
0x59: {  	s31 =	smov.u32 s2;
	_ =	swait.ge [sflag:s24], $0x4000  }
0x5a: {  	[sflag:s24] =	ssyncset.done $0x0  }
0x5b: {  	[sflag:s24] =	ssyncadd.s32 $0xFFFFC000  }
0x5c: {  	_ =	swait.ge [sflag:s25], $0x80  }
0x5d: {  	s2 =	sadd.s32 $0xFFFFFF80, s8;
	[sflag:s25] =	ssyncset.done $0x0  }
0x5e: {  	s9 =	sand.u32 $0x7C00, s2;
	s2 =	sand.u32 $0x300, s2;
	[sflag:s25] =	ssyncadd.s32 $0xFFFFFF80  }
0x5f: {  	[spmem:s1] =	stream.indirect.scatter.add.f32 [tilespmem:s17], [sflag:$0x6], $0x80, s19, s22, $0xb8;
	[tilespmem:$0x1E500] =	vst v63  }
0x60: {  	s9 =	sadd.s32 s6, s9;
	_ =	swait.ge [sflag:s18], $0x4000  }
0x61: {  	s2 =	sor.u32 s2, s9;
	[sflag:s18] =	ssyncset.done $0x0  }
0x62: {  	s2 =	sshrl.u32 s2, $0x3;
	[sflag:s18] =	ssyncadd.s32 $0xFFFFC000  }
0x63: {  	s2 =	sadd.s32 s5, s2  }
0x64: {  	[tilespmem:s19], [sflag:$0x3] =	stream.linear.gather [hbm4b:s2+s3], $0x80, $0x38;
	[tilespmem:$0x1E500] =	vst v63  }
0x65: {  	_ = 	snop  }
0x66: {  	[tilespmem:s17], [sflag:$0x1] =	stream.indirect.gather [hbm4b:s4+s22], $0x80, s0, s22, $0xb8;
	[tilespmem:$0x1E500] =	vst v63  }
0x67: {  	_ =	swait.ge [sflag:s26], $0x4000  }
0x68: {  	[sflag:s26] =	ssyncset.done $0x0  }
0x69: {  	[sflag:s26] =	ssyncadd.s32 $0xFFFFC000  }
0x6a: {  	_ =	swait.ge [sflag:s28], $0x80  }
0x6b: {  	s2 =	sand.u32 $0x7C00, s8;
	[sflag:s28] =	ssyncset.done $0x0  }
0x6c: {  	s8 =	sand.u32 $0x380, s8;
	s2 =	sadd.s32 s6, s2;
	[sflag:s28] =	ssyncadd.s32 $0xFFFFFF80  }
0x6d: {  	[spmem:s1] =	stream.indirect.scatter.add.f32 [tilespmem:s23], [sflag:$0x6], $0x80, s20, s22, $0xb8;
	[tilespmem:$0x1E500] =	vst v63  }
.Ltmp1:
0x6e: {  	_ = 	snop;
	(pc) =	sbr.rel @p0 .LBB2_4-.Ltmp1, $4  }
0x6f: {  	s2 =	sor.u32 s8, s2;
	_ =	swait.ge [sflag:s18], $0x4000  }
0x70: {  	s2 =	sshrl.u32 s2, $0x3;
	[sflag:s18] =	ssyncset.done $0x0  }
0x71: {  	s0 =	sadd.s32 $0x100, s0;
	s2 =	sadd.s32 s5, s2;
	[sflag:s18] =	ssyncadd.s32 $0xFFFFC000  }
0x72: {  	[tilespmem:s20], [sflag:$0x4] =	stream.linear.gather [hbm4b:s2+s3], $0x80, $0x38;
	[tilespmem:$0x1E500] =	vst v63  }
0x73: {  	[tilespmem:s23], [sflag:$0x2] =	stream.indirect.gather [hbm4b:s4+s22], $0x80, s31, s22, $0xb8;
	[tilespmem:$0x1E500] =	vst v63  }
0x74: {  	_ =	swait.ge [sflag:s24], $0x4000  }
0x75: {  	[sflag:s24] =	ssyncset.done $0x0  }
0x76: {  	[sflag:s24] =	ssyncadd.s32 $0xFFFFC000  }
0x77: {  	_ =	swait.ge [sflag:s25], $0x80  }
0x78: {  	[sflag:s25] =	ssyncset.done $0x0  }
0x79: {  	[sflag:s25] =	ssyncadd.s32 $0xFFFFFF80  }
0x7a: {  	[spmem:s1] =	stream.indirect.scatter.add.f32 [tilespmem:s17], [sflag:$0x6], $0x80, s19, s22, $0xb8;
	[tilespmem:$0x1E500] =	vst v63  }
0x7b: {  	_ =	swait.ge [sflag:s18], $0x4000  }
0x7c: {  	[sflag:s18] =	ssyncset.done $0x0  }
0x7d: {  	[sflag:s18] =	ssyncadd.s32 $0xFFFFC000  }
0x7e: {  	_ =	swait.ge [sflag:s26], $0x4000  }
0x7f: {  	[sflag:s26] =	ssyncset.done $0x0  }
0x80: {  	[sflag:s26] =	ssyncadd.s32 $0xFFFFC000  }
0x81: {  	_ =	swait.ge [sflag:s28], $0x80  }
0x82: {  	[sflag:s28] =	ssyncset.done $0x0  }
0x83: {  	[sflag:s28] =	ssyncadd.s32 $0xFFFFFF80  }
0x84: {  	[spmem:s1] =	stream.indirect.scatter.add.f32 [tilespmem:s23], [sflag:$0x6], $0x80, s20, s22, $0xb8;
	[tilespmem:$0x1E500] =	vst v63  }
0x85: {  	s0 =	stileid.u32;
	_ =	swait.ge [sflag:s18], $0x4000  }
0x86: {  	s2 =	sshrl.u32 s7, $0x3;
	s29 =	sadd.s32 $0x1, s29;
	[sflag:s18] =	ssyncset.done $0x0  }
0x87: {  	s0 =	sshll.u32 s0, $0x6;
	p0 =	sne.s32 s29, s16;
	[sflag:s18] =	ssyncadd.s32 $0xFFFFC000  }
.Ltmp2:
0x88: {  	s0 =	sor.u32 $0x1C06, s0;
	[bflag:$0x0] =	sbarrier.arrive $0xFFFF;
	(pc) =	sbr.rel @p0 .LBB2_1-.Ltmp2, $4  }
0x89: {  	[hbm:s15], [sflag:s0] =	dma.local [spmem:s2], $0x2780  }
0x8a: {  	_ =	swait.ge [sflag:s18], $0x2780  }
0x8b: {  	[sflag:s18] =	ssyncset.done $0x0  }
0x8c: {  	[sflag:s18] =	ssyncadd.s32 $0xFFFFD880  }
0x8d: {  	_ =	sfence.sel $0x180000  }
0x8e: {  	[bflag:$0x0] =	sbarrier.arrive $0xFFFF  }
0x8f: {  	_ =	strace $0x90000047  }
0x90: {  	s0 =	stileid.u32;
	[bflag:$0x2] =	sbarrier.arrive $0xFFFF  }
0x91: {  	p0 =	sne.s32 s0, $0x0;
	s0 =	rddreg [dreg:$0x3]  }
0x92: {  	s0 =	sadd.s32 @!p0 $0x100000, s0  }
0x93: {  	[sflag:s0] =	ssyncadd.tile.s32 @!p0 $0x1;
	_ =	shalt  }
.Lfunc_end2:
_tile_overlayer_lowered:
.L_overlay_start_2:
0x94: {  	(tag) =	ssettag $0x2  }
0x95: {  	s0 =	rddreg [dreg:$0x0];
	s2 =	stileid.u32  }
0x96: {  	s1 =	rddreg [dreg:$0x1];
	p0 =	sne.s32 s2, $0x0  }
0x97: {  	s3 =	rddreg [dreg:$0x2];
	[bflag:$0x3] =	sbarrier.arrive $0xFFFF;
	s2 =	simm.s32 @!p0 $0x1C06  }
0x98: {  	[timem:s3], [sflag:s2] =	dma.local @!p0 [hbm:s0], s1  }
0x99: {  	s0 =	simm.s32 @!p0 $0x6  }
0x9a: {  	_ =	swait.ge @!p0 [sflag:s0], s1  }
0x9b: {  	s1 =	ssub.s32 @!p0 $0x0, s1;
	[sflag:s0] =	ssyncset.done @!p0 $0x0  }
0x9c: {  	[sflag:s0] =	ssyncadd.s32 @!p0 s1  }
0x9d: {  	[bflag:$0x3] =	sbarrier.arrive $0xFFFF  }
0x9e: {  	_ =	shalt  }

// kernel: kernel.9.cloned.1.call-start
scs
__scs_entry_jumppad:
0x0: {  	(pc) =	sbr.rel $0x88, $3  }
0x1: {  	(tag) =	ssettag $0x0;
	lr =	simm.s32 $0x1  }
0x2: {  	[smem:$0x3F97] =	sst lr;
	_ =	strace $0xD0000000  }
0x3: {  	_ = 	snop  }
0x4: {  	_ = 	snop  }
0x5: {  	_ = 	snop  }
0x6: {  	_ = 	snop  }
0x7: {  	_ = 	snop  }
__scs_overlays_trampoline_lowered:
0x8: {  	[smem:$0x3FA6] =	sst s0  }
0x9: {  	[smem:$0x3FA7] =	sst s1  }
0xa: {  	[smem:$0x3FA8] =	sst s2  }
0xb: {  	[smem:$0x3FA9] =	sst s3  }
0xc: {  	[smem:$0x3FAA] =	sst s4  }
0xd: {  	[smem:$0x3FAB] =	sst s5  }
0xe: {  	[smem:$0x3FAC] =	sst s6  }
0xf: {  	[smem:$0x3FAD] =	sst s7  }
0x10: {  	[smem:$0x3FAE] =	sst s8  }
0x11: {  	[smem:$0x3FAF] =	sst s9;
	s0 =	simm.s32 @!p0 $0x0  }
0x12: {  	s1 =	sld [smem:$0x3F95];
	s0 =	simm.s32 @p0 $0x1  }
0x13: {  	[smem:$0x3FB0] =	sst s0;
	s0 =	simm.s32 @!p1 $0x0  }
0x14: {  	s2 =	sld [smem:$0x3F94];
	s0 =	simm.s32 @p1 $0x1  }
0x15: {  	[smem:$0x3FB1] =	sst s0;
	s0 =	simm.s32 @!p2 $0x0  }
0x16: {  	s3 =	sld [smem:$0x3FDB];
	s0 =	simm.s32 @p2 $0x1  }
0x17: {  	s4 =	simm.s32 $0x1BF5;
	[smem:$0x3FB3] =	sst s0  }
0x18: {  	s0 =	sld [smem:$0x3F96];
	_ =	swait.ge [sflag:s4], $0x0  }
0x19: {  	s7 =	sld [smem:$0x3F97]  }
0x1a: {  	s8 =	sadd.s32 $0xFFFFE003, lr  }
0x1b: {  	s9 =	sadd.s32 $0xFFFFFEF7, lr;
	s5 =	simm.s32 $0xFFFFFFFF;
	p2 =	slt.u32 s8, $0xFFFFF086  }
0x1c: {  	p1 =	slt.u32 s9, $0xF7A;
	s5 =	simm.s32 @!p2 $0x0  }
0x1d: {  	s5 =	simm.s32 @p1 $0x1;
	p0 =	seq.s32 s7, s2  }
0x1e: {  	s7 =	smul.u32 @!p0 $0xF7A, s2;
	p2 =	seq.s32 @!p0 s5, $0x0  }
0x1f: {  	s9 =	smul.u32 $0xF7A, s1;
	s8 =	simm.s32 @!p0 $0x1BF5;
	p2 =	por !p2, p0  }
0x20: {  	[sflag:s8] =	ssyncset.s32 @!p0 $0xFFFFF086;
	s6 =	sadd.s32 @!p0 s3, s7;
	s7 =	simm.s32 @!p0 $0x108  }
0x21: {  	s3 =	sadd.s32 s3, s9;
	s6 =	sadd.s32 @!p0 $0x88, s6;
	s7 =	simm.s32 @p2 $0x1082  }
0x22: {  	[simem:s7], [sflag:s8] =	dma.local @!p0 [hbm:s6], $0xF7A  }
0x23: {  	s9 =	sor.u32 $0xD0000000, s2;
	s6 =	simm.s32 $0x108;
	_ =	swait.ge @!p0 [sflag:s8], $0x0  }
0x24: {  	s3 =	sadd.s32 $0x88, s3;
	s6 =	simm.s32 @!p1 $0x1082;
	[sflag:s4] =	ssyncset.s32 $0xFFFFF086  }
0x25: {  	[simem:s6], [sflag:s4] =	dma.local [hbm:s3], $0xF7A  }
0x26: {  	[smem:$0x3F97] =	sst s1;
	(tag) =	ssettag s2;
	_ =	strace s9  }
0x27: {  	s1 =	sld [smem:$0x3FA7]  }
0x28: {  	s2 =	sld [smem:$0x3FA8]  }
0x29: {  	s4 =	sld [smem:$0x3FAA]  }
0x2a: {  	p0 =	seq.s32 s5, $0x0;
	s5 =	sld [smem:$0x3FAB]  }
0x2b: {  	s6 =	sld [smem:$0x3FAC]  }
0x2c: {  	s7 =	sld [smem:$0x3FAD]  }
0x2d: {  	s3 =	simm.s32 $0x108;
	s8 =	sld [smem:$0x3FAE]  }
0x2e: {  	s3 =	simm.s32 @!p0 $0x1082;
	s9 =	sld [smem:$0x3FAF]  }
0x2f: {  	lr =	sadd.s32 s0, s3;
	s0 =	sld [smem:$0x3FA6]  }
0x30: {  	s3 =	sld [smem:$0x3FA9]  }
0x31: {  	[smem:$0x3FB2] =	sst s10  }
0x32: {  	s10 =	sld [smem:$0x3FB0];
	_ =	sdelay $0x3  }
0x33: {  	p0 =	seq.s32 s10, $0x1;
	s10 =	sld [smem:$0x3FB2];
	_ =	sdelay $0x3  }
0x34: {  	[smem:$0x3FB2] =	sst s10  }
0x35: {  	s10 =	sld [smem:$0x3FB1];
	_ =	sdelay $0x3  }
0x36: {  	p1 =	seq.s32 s10, $0x1;
	s10 =	sld [smem:$0x3FB2];
	_ =	sdelay $0x3  }
0x37: {  	[smem:$0x3FB2] =	sst s10  }
0x38: {  	s10 =	sld [smem:$0x3FB3]  }
0x39: {  	_ = 	snop;
	(pc) =	sbr.ind lr, $3  }
0x3a: {  	_ = 	snop  }
0x3b: {  	_ = 	snop  }
0x3c: {  	p2 =	seq.s32 s10, $0x1;
	s10 =	sld [smem:$0x3FB2]  }
0x3d: {  	_ =	shalt  }
0x3e: {  	_ =	shalt  }
0x3f: {  	_ =	shalt  }
0x40: {  	_ =	shalt  }
0x41: {  	_ =	shalt  }
0x42: {  	_ =	shalt  }
0x43: {  	_ =	shalt  }
0x44: {  	_ =	shalt  }
0x45: {  	_ =	shalt  }
0x46: {  	_ =	shalt  }
0x47: {  	_ =	shalt  }
0x48: {  	_ =	shalt  }
0x49: {  	_ =	shalt  }
0x4a: {  	_ =	shalt  }
0x4b: {  	_ =	shalt  }
0x4c: {  	_ =	shalt  }
0x4d: {  	_ =	shalt  }
0x4e: {  	_ =	shalt  }
0x4f: {  	_ =	shalt  }
0x50: {  	_ =	shalt  }
0x51: {  	_ =	shalt  }
0x52: {  	_ =	shalt  }
0x53: {  	_ =	shalt  }
0x54: {  	_ =	shalt  }
0x55: {  	_ =	shalt  }
0x56: {  	_ =	shalt  }
0x57: {  	_ =	shalt  }
0x58: {  	_ =	shalt  }
0x59: {  	_ =	shalt  }
0x5a: {  	_ =	shalt  }
0x5b: {  	_ =	shalt  }
0x5c: {  	_ =	shalt  }
0x5d: {  	_ =	shalt  }
0x5e: {  	_ =	shalt  }
0x5f: {  	_ =	shalt  }
0x60: {  	_ =	shalt  }
0x61: {  	_ =	shalt  }
0x62: {  	_ =	shalt  }
0x63: {  	_ =	shalt  }
0x64: {  	_ =	shalt  }
0x65: {  	_ =	shalt  }
0x66: {  	_ =	shalt  }
0x67: {  	_ =	shalt  }
0x68: {  	_ =	shalt  }
0x69: {  	_ =	shalt  }
0x6a: {  	_ =	shalt  }
0x6b: {  	_ =	shalt  }
0x6c: {  	_ =	shalt  }
0x6d: {  	_ =	shalt  }
0x6e: {  	_ =	shalt  }
0x6f: {  	_ =	shalt  }
0x70: {  	_ =	shalt  }
0x71: {  	_ =	shalt  }
0x72: {  	_ =	shalt  }
0x73: {  	_ =	shalt  }
0x74: {  	_ =	shalt  }
0x75: {  	_ =	shalt  }
0x76: {  	_ =	shalt  }
0x77: {  	_ =	shalt  }
0x78: {  	_ =	shalt  }
0x79: {  	_ =	shalt  }
0x7a: {  	_ =	shalt  }
0x7b: {  	_ =	shalt  }
0x7c: {  	_ =	shalt  }
0x7d: {  	_ =	shalt  }
0x7e: {  	_ =	shalt  }
0x7f: {  	_ =	shalt  }
0x80: {  	_ =	shalt  }
0x81: {  	_ =	shalt  }
0x82: {  	_ =	shalt  }
0x83: {  	_ =	shalt  }
0x84: {  	_ =	shalt  }
0x85: {  	_ =	shalt  }
0x86: {  	_ =	shalt  }
0x87: {  	_ =	shalt  }
.Lfunc_end0:
.L_simem_size_0:
called_computation.1_lowered:
.L_overlay_start_0:
0x88: {  	s2 =	sld [smem:$0x3FD9]  }
0x89: {  	s3 =	sld [smem:$0x3FFE];
	_ =	sdelay $0x1  }
0x8a: {  	s1 =	srdreg.scid  }
0x8b: {  	s0 =	sand.u32 $0x1, s1  }
0x8c: {  	s17 =	sshll.u32 s0, $0xA;
	s2 =	sadd.s32 s3, s2  }
0x8d: {  	s2 =	sadd.s32 s2, s17  }
0x8e: {  	[smem:$0x3FBE] =	sst s2  }
0x8f: {  	_ = 	snop  }
0x90: {  	s2 =	sld [smem:$0x3FD0];
	(tm) =	ssettm $0x1  }
0x91: {  	s18 =	sld [smem:$0x3FFB];
	_ =	sdelay $0x3  }
0x92: {  	_ =	strace s18  }
0x93: {  	s3 =	sld [smem:$0x3FFC];
	_ =	sdelay $0x3  }
0x94: {  	_ =	strace s3  }
0x95: {  	s3 =	sld [smem:$0x3FFD];
	_ =	sdelay $0x3  }
0x96: {  	_ =	strace s3  }
0x97: {  	_ =	strace $0x8FFFFFFF  }
0x98: {  	s19 =	sld [smem:$0x3FDB];
	_ =	sdelay $0x1  }
0x99: {  	s4 =	simm.s32 $_scs_section_size  }
0x9a: {  	s5 =	simm.s32 $_size__tile_overlayer_lowered;
	s6 =	simm.s32 $_tile_overlayer_lowered  }
0x9b: {  	s22 =	simm.s32 $0x1BFF;
	s21 =	sshll.u32 s6, $0x1;
	s3 =	sadd.s32 s4, s19  }
0x9c: {  	s7 =	simm.s32 $0x0;
	s20 =	sshll.u32 s5, $0x1;
	s5 =	sadd.s32 s21, s3  }
0x9d: {  	[timem:s7], [sflag:s22] =	dma.local [hbm:s5], s20  }
0x9e: {  	_ =	swait.ge [sflag:s22], s20  }
0x9f: {  	s4 =	ssub.s32 $0x0, s20;
	[sflag:s22] =	ssyncset.done $0x0  }
0xa0: {  	[sflag:s22] =	ssyncadd.s32 s4;
	_ =	sdelay $0x1  }
0xa1: {  	s23 =	simm.s32 $0x1B8B  }
0xa2: {  	_ =	swait.ge [sflag:s23], $0x1  }
0xa3: {  	[sflag:s23] =	ssyncset.done $0x0  }
0xa4: {  	s25 =	simm.s32 $0x1B8E;
	s24 =	sld [smem:$0x3FFE];
	[sflag:s23] =	ssyncadd.s32 $0xFFFFFFFF  }
0xa5: {  	s26 =	simm.s32 $execute0_lowered;
	[smem:$0x3FD2] =	sst s25  }
0xa6: {  	s5 =	sshll.u32 s26, $0x1;
	_ =	strace $0x80000049;
	[dreg:$0x1] =	wrdreg $0xFFFFFFFF  }
0xa7: {  	s28 =	simm.s32 $_size_execute0_lowered;
	s3 =	sadd.s32 s3, s5;
	[dreg:$0x0] =	wrdreg $0x0  }
0xa8: {  	s5 =	sshll.u32 s28, $0x1;
	[dreg:$0x2] =	wrdreg s3  }
0xa9: {  	[dreg:$0x3] =	wrdreg s5  }
0xaa: {  	[dreg:$0x4] =	wrdreg $0xC0  }
0xab: {  	_ =	task [dreg:s7], $0x5FFFF  }
0xac: {  	[dreg:$0x1] =	wrdreg $0xFFFFFFFF  }
0xad: {  	[dreg:$0x0] =	wrdreg $0x60  }
0xae: {  	[dreg:$0x2] =	wrdreg s24  }
0xaf: {  	[dreg:$0x3] =	wrdreg s2  }
0xb0: {  	[dreg:$0x4] =	wrdreg $0xA9000  }
0xb1: {  	[dreg:$0x5] =	wrdreg $0x9  }
0xb2: {  	_ =	task.clear_ibuf [dreg:s7], $0x6FFFF;
	_ =	strace $0x90000049  }
0xb3: {  	s29 =	simm.s32 $0x9;
	_ =	strace $0x8000004B  }
0xb4: {  	_ =	swait.ge [sflag:s29], $0x1  }
0xb5: {  	[sflag:s29] =	ssyncadd.s32 $0xFFFFFFFF  }
0xb6: {  	_ =	strace $0x9000004B  }
0xb7: {  	_ =	sfence  }
0xb8: {  	s30 =	sld [smem:$0x0];
	_ =	sdelay $0x2  }
0xb9: {  	s31 =	sshll.u32 s1, $0xD;
	s1 =	sshrl.u32 s1, $0x2  }
0xba: {  	s3 =	sand.u32 $0x4000, s31;
	s1 =	sadd.s32 s1, s30  }
0xbb: {  	s0 =	sor.u32 s3, s0;
	s1 =	sshll.u32 s1, $0x11  }
0xbc: {  	s0 =	sor.u32 s1, s0  }
0xbd: {  	s0 =	sadd.s32 $0x8F2B, s0  }
0xbe: {  	[sflag:s0] =	ssyncadd.remote.s32 $0x1  }
0xbf: {  	_ =	sfence.sel $0xFFFF  }
0xc0: {  	[dreg:$0x0] =	wrdreg $0xFFFFFFFF;
	(pc) =	sbr.abs _section_cstart, $3  }
0xc1: {  	[dreg:$0x1] =	wrdreg $0xFFFFFFFF  }
0xc2: {  	_ =	task.clear_ibuf [dreg:s7], $0x2FFFF;
	_ =	strace $0x9FFFFFFF  }
0xc3: {  	(tm) =	ssettm $0x7FFFFFFF  }
tec
execute0_lowered:
.L_overlay_start_1:
0x0: {  	(tag) =	ssettag $0x1  }
0x1: {  	s0 =	rddreg [dreg:$0x0]  }
0x2: {  	s8 =	rddreg [dreg:$0x1]  }
0x3: {  	s1 =	rddreg [dreg:$0x2];
	s3 =	simm.s32 $0x0  }
0x4: {  	s2 =	srdreg.scid;
	s22 =	stileid.u32;
	s17 =	simm.s32 $0x2900  }
0x5: {  	s18 =	simm.s32 $0x6;
	s19 =	simm.s32 $0x2800;
	s20 =	simm.s32 $0x2880  }
0x6: {  	s21 =	simm.s32 $0x5;
	s28 =	simm.s32 $0x4;
	s29 =	simm.s32 $0x0  }
0x7: {  	[smem:$0x7FF] =	sst s3;
	s6 =	sand.u32 $0x1, s2;
	s9 =	smul.u32 $0x13C00, s22  }
0x8: {  	s4 =	sadd.s32 $0xB600, s0;
	s5 =	sadd.s32 $0x1600, s0;
	s24 =	smul.u32 $0x4F000, s22  }
0x9: {  	s7 =	smul.u32 $0x13C000, s6;
	s10 =	sshll.u32 s6, $0x4;
	s11 =	ssub.s32 $0x2, s6  }
0xa: {  	_ =	strace $0x8000004A;
	s23 =	sor.u32 s22, s10;
	s25 =	sshrl.u32 s11, $0x1  }
0xb: {  	s26 =	sshrl.u32 s24, $0x2;
	s22 =	simm.s32 $0x80;
	s24 =	simm.s32 $0x1  }
0xc: {  	s7 =	sadd.s32 s9, s7;
	s6 =	smul.u32 $0x2800, s23;
	s16 =	ssub.s32 s11, s25  }
0xd: {  	s23 =	simm.s32 $0x6900;
	s25 =	simm.s32 $0x3;
	s7 =	sshrl.u32 s7, $0x3  }
0xe: {  	s16 =	smax.u32 s16, $0x1;
	s0 =	sadd.s32 s7, s0;
	s13 =	sshrl.u32 s6, $0x3  }
0xf: {  	s7 =	sadd.s32 s26, s1;
	s26 =	simm.s32 $0x2;
	s30 =	sadd.s32 s8, s13  }
0x10: {  	s31 =	sadd.s32 $0x4000, s7;
	s10 =	sadd.s32 $0x8000, s7;
	s11 =	sadd.s32 $0xC000, s7  }
0x11: {  	s12 =	sadd.s32 $0x10000, s7;
	s13 =	sadd.s32 s5, s13;
	[dreg:$0x4] =	wrdreg s30  }
0x12: {  	v0 =	vimm.f32 $0.0e+00;
	s15 =	sadd.s32 $0x32E00, s0;
	[dreg:$0x5] =	wrdreg s31;
	s14 =	sadd.s32 $0x10, s13  }
.LBB2_1:
0x13: {  	s0 =	rddreg [dreg:$0x4];
	s9 =	sand.u32 $0xFE00, s3  }
0x14: {  	[tilespmem:s3], [sflag:$0x5] =	stream.linear.gather [hbm4b:s0+s3], $0x2800, $0x38;
	[tilespmem:$0x1E500] =	vst v63  }
0x15: {  	s30 =	sand.u32 $0x70, s3;
	s31 =	sshrl.u32 s9, $0x2  }
0x16: {  	s0 =	simm.s32 $0x40;
	s31 =	sor.u32 s30, s31;
	s30 =	simm.s32 $0x0  }
.LBB2_2:
0x17: {  	p0 =	sne.s32 s0, $0xFFC0  }
0x18: {  	[tilespmem:s31+$0x2900] =	vst v0;
	s30 =	sadd.s32 $0x10, s30;
	s31 =	smov.u32 s0;
	s0 =	sadd.s32 $0x40, s0  }
.Ltmp0:
0x19: {  	(pc) =	sbr.rel @p0 .LBB2_2-.Ltmp0, $4  }
0x1a: {  	_ = 	snop  }
0x1b: {  	s31 =	sand.u32 $0xFE00, s31  }
0x1c: {  	s2 =	sand.u32 $0x70, s30;
	s31 =	sshrl.u32 s31, $0x2  }
0x1d: {  	s31 =	sor.u32 s2, s31  }
0x1e: {  	[tilespmem:s31+$0x2900] =	vst v0  }
0x1f: {  	[spmem:s7] =	stream.linear.scatter [tilespmem:s17], [sflag:$0x6], $0x4000, $0x38;
	[tilespmem:$0x1E500] =	vst v63  }
0x20: {  	_ =	swait.ge [sflag:s18], $0x4000  }
0x21: {  	[sflag:s18] =	ssyncset.done $0x0  }
0x22: {  	s0 =	rddreg [dreg:$0x5];
	[sflag:s18] =	ssyncadd.s32 $0xFFFFC000  }
0x23: {  	[spmem:s0] =	stream.linear.scatter [tilespmem:s17], [sflag:$0x6], $0x4000, $0x38;
	[tilespmem:$0x1E500] =	vst v63  }
0x24: {  	_ =	swait.ge [sflag:s18], $0x4000  }
0x25: {  	[sflag:s18] =	ssyncset.done $0x0  }
0x26: {  	[sflag:s18] =	ssyncadd.s32 $0xFFFFC000  }
0x27: {  	[spmem:s10] =	stream.linear.scatter [tilespmem:s17], [sflag:$0x6], $0x4000, $0x38;
	[tilespmem:$0x1E500] =	vst v63  }
0x28: {  	_ =	swait.ge [sflag:s18], $0x4000  }
0x29: {  	[sflag:s18] =	ssyncset.done $0x0  }
0x2a: {  	[sflag:s18] =	ssyncadd.s32 $0xFFFFC000  }
0x2b: {  	[spmem:s11] =	stream.linear.scatter [tilespmem:s17], [sflag:$0x6], $0x4000, $0x38;
	[tilespmem:$0x1E500] =	vst v63  }
0x2c: {  	_ =	swait.ge [sflag:s18], $0x4000  }
0x2d: {  	[sflag:s18] =	ssyncset.done $0x0  }
0x2e: {  	[sflag:s18] =	ssyncadd.s32 $0xFFFFC000  }
0x2f: {  	[spmem:s12] =	stream.linear.scatter [tilespmem:s17], [sflag:$0x6], $0x3C00, $0x38;
	[tilespmem:$0x1E500] =	vst v63  }
0x30: {  	_ =	swait.ge [sflag:s18], $0x3C00  }
0x31: {  	[sflag:s18] =	ssyncset.done $0x0  }
0x32: {  	[sflag:s18] =	ssyncadd.s32 $0xFFFFC400  }
0x33: {  	[tilespmem:s19], [sflag:$0x3] =	stream.linear.gather [hbm4b:s13+s3], $0x80, $0x38;
	[tilespmem:$0x1E500] =	vst v63  }
0x34: {  	_ = 	snop  }
0x35: {  	[tilespmem:s20], [sflag:$0x4] =	stream.linear.gather [hbm4b:s14+s3], $0x80, $0x38;
	[tilespmem:$0x1E500] =	vst v63  }
0x36: {  	_ =	swait.ge [sflag:s21], $0x2800  }
0x37: {  	[sflag:s21] =	ssyncset.done $0x0  }
0x38: {  	[sflag:s21] =	ssyncadd.s32 $0xFFFFD800  }
0x39: {  	[tilespmem:s17], [sflag:$0x1] =	stream.indirect.gather [hbm4b:s4+s22], $0x80, s3, s22, $0xb8;
	[tilespmem:$0x1E500] =	vst v63  }
0x3a: {  	_ = 	snop  }
0x3b: {  	[tilespmem:s23], [sflag:$0x2] =	stream.indirect.gather [hbm4b:s4+s22], $0x80, s22, s22, $0xb8;
	[tilespmem:$0x1E500] =	vst v63  }
0x3c: {  	[bflag:$0x0] =	sbarrier.arrive $0xFFFF  }
0x3d: {  	_ =	swait.ge [sflag:s24], $0x4000  }
0x3e: {  	[sflag:s24] =	ssyncset.done $0x0  }
0x3f: {  	[sflag:s24] =	ssyncadd.s32 $0xFFFFC000  }
0x40: {  	s9 =	simm.s32 $0x100;
	_ =	swait.ge [sflag:s25], $0x80  }
0x41: {  	s2 =	sand.u32 $0x7C00, s9;
	[sflag:s25] =	ssyncset.done $0x0  }
0x42: {  	s2 =	sadd.s32 s6, s2;
	s0 =	sand.u32 $0x300, s9;
	[sflag:s25] =	ssyncadd.s32 $0xFFFFFF80  }
0x43: {  	[spmem:s1] =	stream.indirect.scatter.add.f32 [tilespmem:s17], [sflag:$0x6], $0x80, s19, s22, $0xb8;
	[tilespmem:$0x1E500] =	vst v63  }
0x44: {  	s0 =	sor.u32 s0, s2;
	_ =	swait.ge [sflag:s18], $0x4000  }
0x45: {  	s0 =	sshrl.u32 s0, $0x3;
	[sflag:s18] =	ssyncset.done $0x0  }
0x46: {  	s0 =	sadd.s32 s5, s0;
	[sflag:s18] =	ssyncadd.s32 $0xFFFFC000  }
0x47: {  	[tilespmem:s19], [sflag:$0x3] =	stream.linear.gather [hbm4b:s0+s3], $0x80, $0x38;
	[tilespmem:$0x1E500] =	vst v63  }
0x48: {  	s2 =	simm.s32 $0x100  }
0x49: {  	[tilespmem:s17], [sflag:$0x1] =	stream.indirect.gather [hbm4b:s4+s22], $0x80, s2, s22, $0xb8;
	[tilespmem:$0x1E500] =	vst v63  }
0x4a: {  	_ =	swait.ge [sflag:s26], $0x4000  }
0x4b: {  	[sflag:s26] =	ssyncset.done $0x0  }
0x4c: {  	[sflag:s26] =	ssyncadd.s32 $0xFFFFC000  }
0x4d: {  	s8 =	simm.s32 $0x180;
	_ =	swait.ge [sflag:s28], $0x80  }
0x4e: {  	s9 =	sand.u32 $0x7C00, s8;
	[sflag:s28] =	ssyncset.done $0x0  }
0x4f: {  	s0 =	sand.u32 $0x380, s8;
	s2 =	sadd.s32 s6, s9;
	[sflag:s28] =	ssyncadd.s32 $0xFFFFFF80  }
0x50: {  	[spmem:s1] =	stream.indirect.scatter.add.f32 [tilespmem:s23], [sflag:$0x6], $0x80, s20, s22, $0xb8;
	[tilespmem:$0x1E500] =	vst v63  }
0x51: {  	s0 =	sor.u32 s0, s2;
	_ =	swait.ge [sflag:s18], $0x4000  }
0x52: {  	s0 =	sshrl.u32 s0, $0x3;
	[sflag:s18] =	ssyncset.done $0x0  }
0x53: {  	s0 =	sadd.s32 s5, s0;
	[sflag:s18] =	ssyncadd.s32 $0xFFFFC000  }
0x54: {  	[tilespmem:s20], [sflag:$0x4] =	stream.linear.gather [hbm4b:s0+s3], $0x80, $0x38;
	[tilespmem:$0x1E500] =	vst v63  }
0x55: {  	s31 =	simm.s32 $0x180;
	s30 =	simm.s32 $0x280;
	s0 =	simm.s32 $0x200  }
.LBB2_4:
0x56: {  	s2 =	sadd.s32 $0x80, s0  }
0x57: {  	p0 =	sne.s32 s30, $0x2780;
	s8 =	smov.u32 s30;
	s30 =	sadd.s32 $0x100, s30  }
0x58: {  	[tilespmem:s23], [sflag:$0x2] =	stream.indirect.gather [hbm4b:s4+s22], $0x80, s31, s22, $0xb8;
	[tilespmem:$0x1E500] =	vst v63  }
0x59: {  	s31 =	smov.u32 s2;
	_ =	swait.ge [sflag:s24], $0x4000  }
0x5a: {  	[sflag:s24] =	ssyncset.done $0x0  }
0x5b: {  	[sflag:s24] =	ssyncadd.s32 $0xFFFFC000  }
0x5c: {  	_ =	swait.ge [sflag:s25], $0x80  }
0x5d: {  	s2 =	sadd.s32 $0xFFFFFF80, s8;
	[sflag:s25] =	ssyncset.done $0x0  }
0x5e: {  	s9 =	sand.u32 $0x7C00, s2;
	s2 =	sand.u32 $0x300, s2;
	[sflag:s25] =	ssyncadd.s32 $0xFFFFFF80  }
0x5f: {  	[spmem:s1] =	stream.indirect.scatter.add.f32 [tilespmem:s17], [sflag:$0x6], $0x80, s19, s22, $0xb8;
	[tilespmem:$0x1E500] =	vst v63  }
0x60: {  	s9 =	sadd.s32 s6, s9;
	_ =	swait.ge [sflag:s18], $0x4000  }
0x61: {  	s2 =	sor.u32 s2, s9;
	[sflag:s18] =	ssyncset.done $0x0  }
0x62: {  	s2 =	sshrl.u32 s2, $0x3;
	[sflag:s18] =	ssyncadd.s32 $0xFFFFC000  }
0x63: {  	s2 =	sadd.s32 s5, s2  }
0x64: {  	[tilespmem:s19], [sflag:$0x3] =	stream.linear.gather [hbm4b:s2+s3], $0x80, $0x38;
	[tilespmem:$0x1E500] =	vst v63  }
0x65: {  	_ = 	snop  }
0x66: {  	[tilespmem:s17], [sflag:$0x1] =	stream.indirect.gather [hbm4b:s4+s22], $0x80, s0, s22, $0xb8;
	[tilespmem:$0x1E500] =	vst v63  }
0x67: {  	_ =	swait.ge [sflag:s26], $0x4000  }
0x68: {  	[sflag:s26] =	ssyncset.done $0x0  }
0x69: {  	[sflag:s26] =	ssyncadd.s32 $0xFFFFC000  }
0x6a: {  	_ =	swait.ge [sflag:s28], $0x80  }
0x6b: {  	s2 =	sand.u32 $0x7C00, s8;
	[sflag:s28] =	ssyncset.done $0x0  }
0x6c: {  	s8 =	sand.u32 $0x380, s8;
	s2 =	sadd.s32 s6, s2;
	[sflag:s28] =	ssyncadd.s32 $0xFFFFFF80  }
0x6d: {  	[spmem:s1] =	stream.indirect.scatter.add.f32 [tilespmem:s23], [sflag:$0x6], $0x80, s20, s22, $0xb8;
	[tilespmem:$0x1E500] =	vst v63  }
.Ltmp1:
0x6e: {  	_ = 	snop;
	(pc) =	sbr.rel @p0 .LBB2_4-.Ltmp1, $4  }
0x6f: {  	s2 =	sor.u32 s8, s2;
	_ =	swait.ge [sflag:s18], $0x4000  }
0x70: {  	s2 =	sshrl.u32 s2, $0x3;
	[sflag:s18] =	ssyncset.done $0x0  }
0x71: {  	s0 =	sadd.s32 $0x100, s0;
	s2 =	sadd.s32 s5, s2;
	[sflag:s18] =	ssyncadd.s32 $0xFFFFC000  }
0x72: {  	[tilespmem:s20], [sflag:$0x4] =	stream.linear.gather [hbm4b:s2+s3], $0x80, $0x38;
	[tilespmem:$0x1E500] =	vst v63  }
0x73: {  	[tilespmem:s23], [sflag:$0x2] =	stream.indirect.gather [hbm4b:s4+s22], $0x80, s31, s22, $0xb8;
	[tilespmem:$0x1E500] =	vst v63  }
0x74: {  	_ =	swait.ge [sflag:s24], $0x4000  }
0x75: {  	[sflag:s24] =	ssyncset.done $0x0  }
0x76: {  	[sflag:s24] =	ssyncadd.s32 $0xFFFFC000  }
0x77: {  	_ =	swait.ge [sflag:s25], $0x80  }
0x78: {  	[sflag:s25] =	ssyncset.done $0x0  }
0x79: {  	[sflag:s25] =	ssyncadd.s32 $0xFFFFFF80  }
0x7a: {  	[spmem:s1] =	stream.indirect.scatter.add.f32 [tilespmem:s17], [sflag:$0x6], $0x80, s19, s22, $0xb8;
	[tilespmem:$0x1E500] =	vst v63  }
0x7b: {  	_ =	swait.ge [sflag:s18], $0x4000  }
0x7c: {  	[sflag:s18] =	ssyncset.done $0x0  }
0x7d: {  	[sflag:s18] =	ssyncadd.s32 $0xFFFFC000  }
0x7e: {  	_ =	swait.ge [sflag:s26], $0x4000  }
0x7f: {  	[sflag:s26] =	ssyncset.done $0x0  }
0x80: {  	[sflag:s26] =	ssyncadd.s32 $0xFFFFC000  }
0x81: {  	_ =	swait.ge [sflag:s28], $0x80  }
0x82: {  	[sflag:s28] =	ssyncset.done $0x0  }
0x83: {  	[sflag:s28] =	ssyncadd.s32 $0xFFFFFF80  }
0x84: {  	[spmem:s1] =	stream.indirect.scatter.add.f32 [tilespmem:s23], [sflag:$0x6], $0x80, s20, s22, $0xb8;
	[tilespmem:$0x1E500] =	vst v63  }
0x85: {  	s0 =	stileid.u32;
	_ =	swait.ge [sflag:s18], $0x4000  }
0x86: {  	s2 =	sshrl.u32 s7, $0x3;
	s29 =	sadd.s32 $0x1, s29;
	[sflag:s18] =	ssyncset.done $0x0  }
0x87: {  	s0 =	sshll.u32 s0, $0x6;
	p0 =	sne.s32 s29, s16;
	[sflag:s18] =	ssyncadd.s32 $0xFFFFC000  }
.Ltmp2:
0x88: {  	s0 =	sor.u32 $0x1C06, s0;
	[bflag:$0x0] =	sbarrier.arrive $0xFFFF;
	(pc) =	sbr.rel @p0 .LBB2_1-.Ltmp2, $4  }
0x89: {  	[hbm:s15], [sflag:s0] =	dma.local [spmem:s2], $0x2780  }
0x8a: {  	_ =	swait.ge [sflag:s18], $0x2780  }
0x8b: {  	[sflag:s18] =	ssyncset.done $0x0  }
0x8c: {  	[sflag:s18] =	ssyncadd.s32 $0xFFFFD880  }
0x8d: {  	_ =	sfence.sel $0x180000  }
0x8e: {  	[bflag:$0x0] =	sbarrier.arrive $0xFFFF  }
0x8f: {  	_ =	strace $0x9000004A  }
0x90: {  	s0 =	stileid.u32;
	[bflag:$0x2] =	sbarrier.arrive $0xFFFF  }
0x91: {  	p0 =	sne.s32 s0, $0x0;
	s0 =	rddreg [dreg:$0x3]  }
0x92: {  	s0 =	sadd.s32 @!p0 $0x100000, s0  }
0x93: {  	[sflag:s0] =	ssyncadd.tile.s32 @!p0 $0x1;
	_ =	shalt  }
.Lfunc_end2:
_tile_overlayer_lowered:
.L_overlay_start_2:
0x94: {  	(tag) =	ssettag $0x2  }
0x95: {  	s0 =	rddreg [dreg:$0x0];
	s2 =	stileid.u32  }
0x96: {  	s1 =	rddreg [dreg:$0x1];
	p0 =	sne.s32 s2, $0x0  }
0x97: {  	s3 =	rddreg [dreg:$0x2];
	[bflag:$0x3] =	sbarrier.arrive $0xFFFF;
	s2 =	simm.s32 @!p0 $0x1C06  }
0x98: {  	[timem:s3], [sflag:s2] =	dma.local @!p0 [hbm:s0], s1  }
0x99: {  	s0 =	simm.s32 @!p0 $0x6  }
0x9a: {  	_ =	swait.ge @!p0 [sflag:s0], s1  }
0x9b: {  	s1 =	ssub.s32 @!p0 $0x0, s1;
	[sflag:s0] =	ssyncset.done @!p0 $0x0  }
0x9c: {  	[sflag:s0] =	ssyncadd.s32 @!p0 s1  }
0x9d: {  	[bflag:$0x3] =	sbarrier.arrive $0xFFFF  }
0x9e: {  	_ =	shalt  }

</sc_bundles>
